<compile_context>
chip_gen: v7x
topology: tpu7x:2x2x1
jax: 0.10.2.dev20260603
libtpu: 0.0.44.dev20260713+nightly
codegen_flags: <defaults>
</compile_context>

<pallas_src>
import functools
import math

import jax
import jax.numpy as jnp
from jax import lax
from jax.experimental import pallas as pl
from jax.experimental.pallas import tpu as pltpu
from jax.experimental.pallas import tpu_sc as plsc

_DIM = 128
_SCALE = math.sqrt(128.0)

_NC = 2
_NS = 16
_NW = _NC * _NS

_CHUNK = 128


def _make_lookup(n_rows: int):
    assert n_rows % (_NW * _CHUNK) == 0
    per_w = n_rows // _NW
    n_chunks = per_w // _CHUNK
    mesh = plsc.VectorSubcoreMesh(
        core_axis_name="c", subcore_axis_name="s",
        num_cores=_NC, num_subcores=_NS,
    )

    nbuf = 2
    assert n_chunks % nbuf == 0
    n_outer = n_chunks // nbuf

    @functools.partial(
        pl.kernel,
        out_type=jax.ShapeDtypeStruct((n_rows, _DIM), jnp.float32),
        mesh=mesh,
        scratch_types=[
            pltpu.VMEM((n_chunks, _CHUNK), jnp.int32),
            pltpu.VMEM((nbuf, _CHUNK, _DIM), jnp.float32),
            pltpu.VMEM((nbuf, _CHUNK, _DIM), jnp.float32),
            [pltpu.SemaphoreType.DMA] * nbuf,
            [pltpu.SemaphoreType.DMA] * nbuf,
        ],
    )
    def lookup(x_hbm, table_hbm, out_hbm, idx_v, gbuf, sbuf, gsems, ssems):
        wid = lax.axis_index("s") * _NC + lax.axis_index("c")
        pltpu.sync_copy(x_hbm.at[pl.ds(wid * n_chunks, n_chunks)], idx_v)
        row0 = wid * per_w

        def gather(j, b):
            return pltpu.make_async_copy(
                table_hbm.at[idx_v.at[j]], gbuf.at[b], gsems[b])

        def store(j, b):
            return pltpu.make_async_copy(
                sbuf.at[b], out_hbm.at[pl.ds(row0 + j * _CHUNK, _CHUNK)],
                ssems[b])

        def scale(b):
            @plsc.parallel_loop(0, _CHUNK, 1, unroll=8)
            def _(r):
                for k in range(_DIM // 16):
                    sl = pl.ds(k * 16, 16)
                    sbuf[b, r, sl] = gbuf[b, r, sl] * _SCALE

        for b in range(nbuf):
            gather(b, b).start()

        def outer(g, carry):
            for b in range(nbuf):
                i = g * nbuf + b
                gather(i, b).wait()

                @pl.when(g > 0)
                def _():
                    store(i, b).wait()

                scale(b)
                store(i, b).start()

                @pl.when(g < n_outer - 1)
                def _():
                    gather(i + nbuf, b).start()
            return carry

        lax.fori_loop(0, n_outer, outer, 0)
        for b in range(nbuf):
            store(n_chunks - nbuf + b, b).wait()

    return lookup


def kernel(x, table):
    orig_shape = x.shape
    n = 1
    for d in orig_shape:
        n *= d
    xf = x.reshape(_NW * (n // (_NW * _CHUNK)), _CHUNK).astype(jnp.int32)
    out = _make_lookup(n)(xf, table)
    return out.reshape(*orig_shape, _DIM)

# --- scband reference (transcript-rebuilt; emitter-appended) ---
"""Pipeline reference for scband-embeddings-54219667144711 (READ-ONLY COPY).

The authoritative reference and input builder live on the scoring server;
editing this copy changes nothing except your own understanding.
"""

import jax, jax.numpy as jnp
import numpy as np

VOCAB = 1000000
DIM = 128

def setup_inputs(seed: int = 0) -> dict:
    key = jax.random.key(seed)
    k1, k2 = jax.random.split(key)
    x = jax.random.randint(k1, (4096, 200), 0, VOCAB, dtype=jnp.int64) if jax.config.jax_enable_x64 else jax.random.randint(k1, (4096, 200), 0, VOCAB, dtype=jnp.int32)
    table = jax.random.normal(k2, (VOCAB, DIM), dtype=jnp.float32)
    return {"x": x, "table": table}

def reference(x, table):
    # Embeddings.forward: self.lut(x) * sqrt(dim_model)
    emb = jnp.take(table, x, axis=0)
    return emb * np.sqrt(DIM).astype(np.float32)

if __name__ == "__main__":
    import jax
    _d = setup_inputs()
    print(jax.jit(kernel)(*tuple(_d.values())))

</pallas_src>

<mosaic_0001>
#map = affine_map<(d0, d1) -> (0, 0)>
module attributes {stable_mosaic.version = 14 : i64} {
  func.func @lookup(%arg0: i32, %arg1: i32, %arg2: memref<6400x128xi32, #tpu.memory_space<hbm>>, %arg3: memref<1000000x128xf32, #tpu.memory_space<hbm>>, %arg4: memref<819200x128xf32, #tpu.memory_space<hbm>>, %arg5: memref<200x128xi32, #tpu.memory_space<vmem>>, %arg6: memref<2x128x128xf32, #tpu.memory_space<vmem>>, %arg7: memref<2x128x128xf32, #tpu.memory_space<vmem>>, %arg8: memref<!tpu.dma_semaphore, #tpu.memory_space<semaphore_mem>>, %arg9: memref<!tpu.dma_semaphore, #tpu.memory_space<semaphore_mem>>, %arg10: memref<!tpu.dma_semaphore, #tpu.memory_space<semaphore_mem>>, %arg11: memref<!tpu.dma_semaphore, #tpu.memory_space<semaphore_mem>>) attributes {dimension_semantics = [#tpu.dimension_semantics<core_parallel>, #tpu.dimension_semantics<subcore_parallel>], iteration_bounds = array<i64: 2, 16>, scalar_prefetch = 0 : i64, scratch_operands = 7 : i64, tpu.core_type = #tpu.core_type<sc_vector_subcore>, window_params = [{transform_indices = #map}, {transform_indices = #map}, {transform_indices = #map}]} {
    %mul3A = arith.constant 2 : i32
    %mul3A_0 = arith.muli %arg1, %mul3A : i32
    %add3A = arith.addi %mul3A_0, %arg0 : i32
    %mul3A_1 = arith.constant 200 : i32
    %mul3A_2 = arith.muli %add3A, %mul3A_1 : i32
    "tpu.region"() ({
      %run_scoped3A = tpu.sem_alloc : memref<!tpu.dma_semaphore, #tpu.memory_space<semaphore_mem>>
      %dma_start3A_62 = arith.constant 0 : i32
      %dma_start3A_63 = tpu.memref_slice %arg2[%mul3A_2, %dma_start3A_62] : memref<6400x128xi32, #tpu.memory_space<hbm>> -> memref<200x128xi32, #tpu.memory_space<hbm>>
      %dma_start3A_64 = arith.constant 0 : i32
      %dma_start3A_65 = tpu.memref_slice %arg2[%mul3A_2, %dma_start3A_64] : memref<6400x128xi32, #tpu.memory_space<hbm>> -> memref<200x128xi32, #tpu.memory_space<hbm>>
      tpu.enqueue_dma source(%dma_start3A_65 : memref<200x128xi32, #tpu.memory_space<hbm>>) target(%arg5 : memref<200x128xi32, #tpu.memory_space<vmem>>) target_semaphore(%run_scoped3A : memref<!tpu.dma_semaphore, #tpu.memory_space<semaphore_mem>>)
      %dma_wait3A_66 = arith.constant 0 : i32
      %dma_wait3A_67 = tpu.memref_slice %arg2[%mul3A_2, %dma_wait3A_66] : memref<6400x128xi32, #tpu.memory_space<hbm>> -> memref<200x128xi32, #tpu.memory_space<hbm>>
      %dma_wait3A_68 = arith.constant 0 : i32
      %dma_wait3A_69 = tpu.memref_slice %arg2[%mul3A_2, %dma_wait3A_68] : memref<6400x128xi32, #tpu.memory_space<hbm>> -> memref<200x128xi32, #tpu.memory_space<hbm>>
      tpu.wait_dma2 semaphore(%run_scoped3A : memref<!tpu.dma_semaphore, #tpu.memory_space<semaphore_mem>>) src(%dma_wait3A_69 : memref<200x128xi32, #tpu.memory_space<hbm>>) dst(%arg5 : memref<200x128xi32, #tpu.memory_space<vmem>>)
      tpu.yield
    }) : () -> ()
    %mul3A_3 = arith.constant 25600 : i32
    %mul3A_4 = arith.muli %add3A, %mul3A_3 : i32
    %dma_start3A = arith.constant 0 : i32
    %dma_start3A_5 = arith.constant 0 : i32
    %dma_start3A_6 = arith.constant 0 : i32
    %dma_start3A_7 = arith.constant 0 : i32
    %dma_start3A_8 = tpu.memref_slice %arg6[%dma_start3A_5, %dma_start3A_6, %dma_start3A_7] : memref<2x128x128xf32, #tpu.memory_space<vmem>> -> memref<1x128x128xf32, #tpu.memory_space<vmem>>
    %dma_start3A_9 = tpu.memref_squeeze %dma_start3A_8 : memref<1x128x128xf32, #tpu.memory_space<vmem>> -> memref<128x128xf32, #tpu.memory_space<vmem>>
    %dma_start3A_10 = arith.constant 0 : i32
    %dma_start3A_11 = tpu.memref_slice %arg5[%dma_start3A, %dma_start3A_10] : memref<200x128xi32, #tpu.memory_space<vmem>> -> memref<1x128xi32, #tpu.memory_space<vmem>>
    %dma_start3A_12 = tpu.memref_squeeze %dma_start3A_11 : memref<1x128xi32, #tpu.memory_space<vmem>> -> memref<128xi32, #tpu.memory_space<vmem>>
    %dma_start3A_13 = arith.constant 0 : i32
    %dma_start3A_14 = arith.constant 0 : i32
    %dma_start3A_15 = tpu.memref_slice %arg3[%dma_start3A_13, %dma_start3A_14] : memref<1000000x128xf32, #tpu.memory_space<hbm>> -> memref<1000000x128xf32, #tpu.memory_space<hbm>>
    tpu.enqueue_indirect_dma source(%dma_start3A_15 : memref<1000000x128xf32, #tpu.memory_space<hbm>>) target(%dma_start3A_9 : memref<128x128xf32, #tpu.memory_space<vmem>>) offsets(%dma_start3A_12 : memref<128xi32, #tpu.memory_space<vmem>>) semaphore(%arg8 : memref<!tpu.dma_semaphore, #tpu.memory_space<semaphore_mem>>)
    %dma_start3A_16 = arith.constant 1 : i32
    %dma_start3A_17 = arith.constant 1 : i32
    %dma_start3A_18 = arith.constant 0 : i32
    %dma_start3A_19 = arith.constant 0 : i32
    %dma_start3A_20 = tpu.memref_slice %arg6[%dma_start3A_17, %dma_start3A_18, %dma_start3A_19] : memref<2x128x128xf32, #tpu.memory_space<vmem>> -> memref<1x128x128xf32, #tpu.memory_space<vmem>>
    %dma_start3A_21 = tpu.memref_squeeze %dma_start3A_20 : memref<1x128x128xf32, #tpu.memory_space<vmem>> -> memref<128x128xf32, #tpu.memory_space<vmem>>
    %dma_start3A_22 = arith.constant 0 : i32
    %dma_start3A_23 = tpu.memref_slice %arg5[%dma_start3A_16, %dma_start3A_22] : memref<200x128xi32, #tpu.memory_space<vmem>> -> memref<1x128xi32, #tpu.memory_space<vmem>>
    %dma_start3A_24 = tpu.memref_squeeze %dma_start3A_23 : memref<1x128xi32, #tpu.memory_space<vmem>> -> memref<128xi32, #tpu.memory_space<vmem>>
    %dma_start3A_25 = arith.constant 0 : i32
    %dma_start3A_26 = arith.constant 0 : i32
    %dma_start3A_27 = tpu.memref_slice %arg3[%dma_start3A_25, %dma_start3A_26] : memref<1000000x128xf32, #tpu.memory_space<hbm>> -> memref<1000000x128xf32, #tpu.memory_space<hbm>>
    tpu.enqueue_indirect_dma source(%dma_start3A_27 : memref<1000000x128xf32, #tpu.memory_space<hbm>>) target(%dma_start3A_21 : memref<128x128xf32, #tpu.memory_space<vmem>>) offsets(%dma_start3A_24 : memref<128xi32, #tpu.memory_space<vmem>>) semaphore(%arg9 : memref<!tpu.dma_semaphore, #tpu.memory_space<semaphore_mem>>)
    %scan3A = arith.constant 0 : i32
    %scan3A_28 = arith.constant 0 : i32
    %scan3A_29 = arith.constant 100 : i32
    %scan3A_30 = arith.addi %scan3A_28, %scan3A_29 : i32
    %scan3A_31 = arith.constant 1 : i32
    scf.for %scan3A_62 = %scan3A_28 to %scan3A_30 step %scan3A_31  : i32 {
      %mul3A_63 = arith.constant 2 : i32
      %mul3A_64 = arith.muli %scan3A_62, %mul3A_63 : i32
      %add3A_65 = arith.constant 0 : i32
      %add3A_66 = arith.addi %mul3A_64, %add3A_65 : i32
      %dma_wait3A_67 = arith.constant 0 : i32
      %dma_wait3A_68 = arith.constant 0 : i32
      %dma_wait3A_69 = arith.constant 0 : i32
      %dma_wait3A_70 = tpu.memref_slice %arg6[%dma_wait3A_67, %dma_wait3A_68, %dma_wait3A_69] : memref<2x128x128xf32, #tpu.memory_space<vmem>> -> memref<1x128x128xf32, #tpu.memory_space<vmem>>
      %dma_wait3A_71 = tpu.memref_squeeze %dma_wait3A_70 : memref<1x128x128xf32, #tpu.memory_space<vmem>> -> memref<128x128xf32, #tpu.memory_space<vmem>>
      %dma_wait3A_72 = arith.constant 0 : i32
      %dma_wait3A_73 = tpu.memref_slice %arg5[%add3A_66, %dma_wait3A_72] : memref<200x128xi32, #tpu.memory_space<vmem>> -> memref<1x128xi32, #tpu.memory_space<vmem>>
      %dma_wait3A_74 = tpu.memref_squeeze %dma_wait3A_73 : memref<1x128xi32, #tpu.memory_space<vmem>> -> memref<128xi32, #tpu.memory_space<vmem>>
      %dma_wait3A_75 = arith.constant 0 : i32
      %dma_wait3A_76 = arith.constant 0 : i32
      %dma_wait3A_77 = tpu.memref_slice %arg3[%dma_wait3A_75, %dma_wait3A_76] : memref<1000000x128xf32, #tpu.memory_space<hbm>> -> memref<1000000x128xf32, #tpu.memory_space<hbm>>
      tpu.wait_indirect_dma semaphore(%arg8 : memref<!tpu.dma_semaphore, #tpu.memory_space<semaphore_mem>>) src(%dma_wait3A_77 : memref<1000000x128xf32, #tpu.memory_space<hbm>>) dst(%dma_wait3A_71 : memref<128x128xf32, #tpu.memory_space<vmem>>)
      %gt3A = arith.constant 0 : i32
      %gt3A_78 = arith.cmpi sgt, %scan3A_62, %gt3A : i32
      %convert_element_type3A = arith.extui %gt3A_78 : i1 to i32
      %cond3A = arith.constant 0 : i32
      %cond3A_79 = arith.cmpi ne, %convert_element_type3A, %cond3A : i32
      scf.if %cond3A_79 {
        %mul3A_146 = arith.constant 128 : i32
        %mul3A_147 = arith.muli %add3A_66, %mul3A_146 : i32
        %add3A_148 = arith.addi %mul3A_4, %mul3A_147 : i32
        %dma_wait3A_149 = arith.constant 0 : i32
        %dma_wait3A_150 = arith.constant 0 : i32
        %dma_wait3A_151 = arith.constant 0 : i32
        %dma_wait3A_152 = tpu.memref_slice %arg7[%dma_wait3A_149, %dma_wait3A_150, %dma_wait3A_151] : memref<2x128x128xf32, #tpu.memory_space<vmem>> -> memref<1x128x128xf32, #tpu.memory_space<vmem>>
        %dma_wait3A_153 = tpu.memref_squeeze %dma_wait3A_152 : memref<1x128x128xf32, #tpu.memory_space<vmem>> -> memref<128x128xf32, #tpu.memory_space<vmem>>
        %dma_wait3A_154 = arith.constant 0 : i32
        %dma_wait3A_155 = tpu.memref_slice %arg4[%add3A_148, %dma_wait3A_154] : memref<819200x128xf32, #tpu.memory_space<hbm>> -> memref<128x128xf32, #tpu.memory_space<hbm>>
        %dma_wait3A_156 = arith.constant 0 : i32
        %dma_wait3A_157 = tpu.memref_slice %arg4[%add3A_148, %dma_wait3A_156] : memref<819200x128xf32, #tpu.memory_space<hbm>> -> memref<128x128xf32, #tpu.memory_space<hbm>>
        %dma_wait3A_158 = arith.constant 0 : i32
        %dma_wait3A_159 = arith.constant 0 : i32
        %dma_wait3A_160 = tpu.memref_slice %arg7[%dma_wait3A_149, %dma_wait3A_158, %dma_wait3A_159] : memref<2x128x128xf32, #tpu.memory_space<vmem>> -> memref<1x128x128xf32, #tpu.memory_space<vmem>>
        %dma_wait3A_161 = tpu.memref_squeeze %dma_wait3A_160 : memref<1x128x128xf32, #tpu.memory_space<vmem>> -> memref<128x128xf32, #tpu.memory_space<vmem>>
        tpu.wait_dma2 semaphore(%arg10 : memref<!tpu.dma_semaphore, #tpu.memory_space<semaphore_mem>>) src(%dma_wait3A_161 : memref<128x128xf32, #tpu.memory_space<vmem>>) dst(%dma_wait3A_157 : memref<128x128xf32, #tpu.memory_space<hbm>>)
      } else {
      }
      %parallel_loop3A = arith.constant 0 : i32
      %parallel_loop3A_80 = arith.constant 128 : i32
      %parallel_loop3A_81 = arith.constant 1 : i32
      scf.for %parallel_loop3A_146 = %parallel_loop3A to %parallel_loop3A_80 step %parallel_loop3A_81  : i32 {
        %parallel_loop3A_147 = arith.constant 0 : i32
        %parallel_loop3A_148 = arith.index_cast %parallel_loop3A_147 : i32 to index
        %parallel_loop3A_149 = arith.index_cast %parallel_loop3A_146 : i32 to index
        %parallel_loop3A_150 = arith.constant 0 : index
        %parallel_loop3A_151 = tpu.vector_load %arg6[%parallel_loop3A_148, %parallel_loop3A_149, %parallel_loop3A_150] {strides = array<i32>} : memref<2x128x128xf32, #tpu.memory_space<vmem>>, vector<1x1x16xf32>,
        %parallel_loop3A_152 = vector.shape_cast %parallel_loop3A_151 : vector<1x1x16xf32> to vector<16xf32>
        %parallel_loop3A_153 = arith.constant 11.3137083 : f32
        %parallel_loop3A_154 = vector.broadcast %parallel_loop3A_153 : f32 to vector<16xf32>
        %parallel_loop3A_155 = arith.mulf %parallel_loop3A_152, %parallel_loop3A_154 : vector<16xf32>
        %parallel_loop3A_156 = arith.constant 0 : i32
        %parallel_loop3A_157 = arith.index_cast %parallel_loop3A_156 : i32 to index
        %parallel_loop3A_158 = arith.index_cast %parallel_loop3A_146 : i32 to index
        %parallel_loop3A_159 = arith.constant 0 : index
        %parallel_loop3A_160 = tpu.vector_load %arg7[%parallel_loop3A_157, %parallel_loop3A_158, %parallel_loop3A_159] {strides = array<i32>} : memref<2x128x128xf32, #tpu.memory_space<vmem>>, vector<1x1x16xf32>,
        %parallel_loop3A_161 = vector.shape_cast %parallel_loop3A_160 : vector<1x1x16xf32> to vector<16xf32>
        %parallel_loop3A_162 = vector.shape_cast %parallel_loop3A_155 : vector<16xf32> to vector<1x1x16xf32>
        tpu.vector_store %arg7[%parallel_loop3A_157, %parallel_loop3A_158, %parallel_loop3A_159], %parallel_loop3A_162 {strides = array<i32>} : memref<2x128x128xf32, #tpu.memory_space<vmem>>, vector<1x1x16xf32>,
        %parallel_loop3A_163 = arith.constant 0 : i32
        %parallel_loop3A_164 = arith.index_cast %parallel_loop3A_163 : i32 to index
        %parallel_loop3A_165 = arith.index_cast %parallel_loop3A_146 : i32 to index
        %parallel_loop3A_166 = arith.constant 16 : index
        %parallel_loop3A_167 = tpu.vector_load %arg6[%parallel_loop3A_164, %parallel_loop3A_165, %parallel_loop3A_166] {strides = array<i32>} : memref<2x128x128xf32, #tpu.memory_space<vmem>>, vector<1x1x16xf32>,
        %parallel_loop3A_168 = vector.shape_cast %parallel_loop3A_167 : vector<1x1x16xf32> to vector<16xf32>
        %parallel_loop3A_169 = arith.constant 11.3137083 : f32
        %parallel_loop3A_170 = vector.broadcast %parallel_loop3A_169 : f32 to vector<16xf32>
        %parallel_loop3A_171 = arith.mulf %parallel_loop3A_168, %parallel_loop3A_170 : vector<16xf32>
        %parallel_loop3A_172 = arith.constant 0 : i32
        %parallel_loop3A_173 = arith.index_cast %parallel_loop3A_172 : i32 to index
        %parallel_loop3A_174 = arith.index_cast %parallel_loop3A_146 : i32 to index
        %parallel_loop3A_175 = arith.constant 16 : index
        %parallel_loop3A_176 = tpu.vector_load %arg7[%parallel_loop3A_173, %parallel_loop3A_174, %parallel_loop3A_175] {strides = array<i32>} : memref<2x128x128xf32, #tpu.memory_space<vmem>>, vector<1x1x16xf32>,
        %parallel_loop3A_177 = vector.shape_cast %parallel_loop3A_176 : vector<1x1x16xf32> to vector<16xf32>
        %parallel_loop3A_178 = vector.shape_cast %parallel_loop3A_171 : vector<16xf32> to vector<1x1x16xf32>
        tpu.vector_store %arg7[%parallel_loop3A_173, %parallel_loop3A_174, %parallel_loop3A_175], %parallel_loop3A_178 {strides = array<i32>} : memref<2x128x128xf32, #tpu.memory_space<vmem>>, vector<1x1x16xf32>,
        %parallel_loop3A_179 = arith.constant 0 : i32
        %parallel_loop3A_180 = arith.index_cast %parallel_loop3A_179 : i32 to index
        %parallel_loop3A_181 = arith.index_cast %parallel_loop3A_146 : i32 to index
        %parallel_loop3A_182 = arith.constant 32 : index
        %parallel_loop3A_183 = tpu.vector_load %arg6[%parallel_loop3A_180, %parallel_loop3A_181, %parallel_loop3A_182] {strides = array<i32>} : memref<2x128x128xf32, #tpu.memory_space<vmem>>, vector<1x1x16xf32>,
        %parallel_loop3A_184 = vector.shape_cast %parallel_loop3A_183 : vector<1x1x16xf32> to vector<16xf32>
        %parallel_loop3A_185 = arith.constant 11.3137083 : f32
        %parallel_loop3A_186 = vector.broadcast %parallel_loop3A_185 : f32 to vector<16xf32>
        %parallel_loop3A_187 = arith.mulf %parallel_loop3A_184, %parallel_loop3A_186 : vector<16xf32>
        %parallel_loop3A_188 = arith.constant 0 : i32
        %parallel_loop3A_189 = arith.index_cast %parallel_loop3A_188 : i32 to index
        %parallel_loop3A_190 = arith.index_cast %parallel_loop3A_146 : i32 to index
        %parallel_loop3A_191 = arith.constant 32 : index
        %parallel_loop3A_192 = tpu.vector_load %arg7[%parallel_loop3A_189, %parallel_loop3A_190, %parallel_loop3A_191] {strides = array<i32>} : memref<2x128x128xf32, #tpu.memory_space<vmem>>, vector<1x1x16xf32>,
        %parallel_loop3A_193 = vector.shape_cast %parallel_loop3A_192 : vector<1x1x16xf32> to vector<16xf32>
        %parallel_loop3A_194 = vector.shape_cast %parallel_loop3A_187 : vector<16xf32> to vector<1x1x16xf32>
        tpu.vector_store %arg7[%parallel_loop3A_189, %parallel_loop3A_190, %parallel_loop3A_191], %parallel_loop3A_194 {strides = array<i32>} : memref<2x128x128xf32, #tpu.memory_space<vmem>>, vector<1x1x16xf32>,
        %parallel_loop3A_195 = arith.constant 0 : i32
        %parallel_loop3A_196 = arith.index_cast %parallel_loop3A_195 : i32 to index
        %parallel_loop3A_197 = arith.index_cast %parallel_loop3A_146 : i32 to index
        %parallel_loop3A_198 = arith.constant 48 : index
        %parallel_loop3A_199 = tpu.vector_load %arg6[%parallel_loop3A_196, %parallel_loop3A_197, %parallel_loop3A_198] {strides = array<i32>} : memref<2x128x128xf32, #tpu.memory_space<vmem>>, vector<1x1x16xf32>,
        %parallel_loop3A_200 = vector.shape_cast %parallel_loop3A_199 : vector<1x1x16xf32> to vector<16xf32>
        %parallel_loop3A_201 = arith.constant 11.3137083 : f32
        %parallel_loop3A_202 = vector.broadcast %parallel_loop3A_201 : f32 to vector<16xf32>
        %parallel_loop3A_203 = arith.mulf %parallel_loop3A_200, %parallel_loop3A_202 : vector<16xf32>
        %parallel_loop3A_204 = arith.constant 0 : i32
        %parallel_loop3A_205 = arith.index_cast %parallel_loop3A_204 : i32 to index
        %parallel_loop3A_206 = arith.index_cast %parallel_loop3A_146 : i32 to index
        %parallel_loop3A_207 = arith.constant 48 : index
        %parallel_loop3A_208 = tpu.vector_load %arg7[%parallel_loop3A_205, %parallel_loop3A_206, %parallel_loop3A_207] {strides = array<i32>} : memref<2x128x128xf32, #tpu.memory_space<vmem>>, vector<1x1x16xf32>,
        %parallel_loop3A_209 = vector.shape_cast %parallel_loop3A_208 : vector<1x1x16xf32> to vector<16xf32>
        %parallel_loop3A_210 = vector.shape_cast %parallel_loop3A_203 : vector<16xf32> to vector<1x1x16xf32>
        tpu.vector_store %arg7[%parallel_loop3A_205, %parallel_loop3A_206, %parallel_loop3A_207], %parallel_loop3A_210 {strides = array<i32>} : memref<2x128x128xf32, #tpu.memory_space<vmem>>, vector<1x1x16xf32>,
        %parallel_loop3A_211 = arith.constant 0 : i32
        %parallel_loop3A_212 = arith.index_cast %parallel_loop3A_211 : i32 to index
        %parallel_loop3A_213 = arith.index_cast %parallel_loop3A_146 : i32 to index
        %parallel_loop3A_214 = arith.constant 64 : index
        %parallel_loop3A_215 = tpu.vector_load %arg6[%parallel_loop3A_212, %parallel_loop3A_213, %parallel_loop3A_214] {strides = array<i32>} : memref<2x128x128xf32, #tpu.memory_space<vmem>>, vector<1x1x16xf32>,
        %parallel_loop3A_216 = vector.shape_cast %parallel_loop3A_215 : vector<1x1x16xf32> to vector<16xf32>
        %parallel_loop3A_217 = arith.constant 11.3137083 : f32
        %parallel_loop3A_218 = vector.broadcast %parallel_loop3A_217 : f32 to vector<16xf32>
        %parallel_loop3A_219 = arith.mulf %parallel_loop3A_216, %parallel_loop3A_218 : vector<16xf32>
        %parallel_loop3A_220 = arith.constant 0 : i32
        %parallel_loop3A_221 = arith.index_cast %parallel_loop3A_220 : i32 to index
        %parallel_loop3A_222 = arith.index_cast %parallel_loop3A_146 : i32 to index
        %parallel_loop3A_223 = arith.constant 64 : index
        %parallel_loop3A_224 = tpu.vector_load %arg7[%parallel_loop3A_221, %parallel_loop3A_222, %parallel_loop3A_223] {strides = array<i32>} : memref<2x128x128xf32, #tpu.memory_space<vmem>>, vector<1x1x16xf32>,
        %parallel_loop3A_225 = vector.shape_cast %parallel_loop3A_224 : vector<1x1x16xf32> to vector<16xf32>
        %parallel_loop3A_226 = vector.shape_cast %parallel_loop3A_219 : vector<16xf32> to vector<1x1x16xf32>
        tpu.vector_store %arg7[%parallel_loop3A_221, %parallel_loop3A_222, %parallel_loop3A_223], %parallel_loop3A_226 {strides = array<i32>} : memref<2x128x128xf32, #tpu.memory_space<vmem>>, vector<1x1x16xf32>,
        %parallel_loop3A_227 = arith.constant 0 : i32
        %parallel_loop3A_228 = arith.index_cast %parallel_loop3A_227 : i32 to index
        %parallel_loop3A_229 = arith.index_cast %parallel_loop3A_146 : i32 to index
        %parallel_loop3A_230 = arith.constant 80 : index
        %parallel_loop3A_231 = tpu.vector_load %arg6[%parallel_loop3A_228, %parallel_loop3A_229, %parallel_loop3A_230] {strides = array<i32>} : memref<2x128x128xf32, #tpu.memory_space<vmem>>, vector<1x1x16xf32>,
        %parallel_loop3A_232 = vector.shape_cast %parallel_loop3A_231 : vector<1x1x16xf32> to vector<16xf32>
        %parallel_loop3A_233 = arith.constant 11.3137083 : f32
        %parallel_loop3A_234 = vector.broadcast %parallel_loop3A_233 : f32 to vector<16xf32>
        %parallel_loop3A_235 = arith.mulf %parallel_loop3A_232, %parallel_loop3A_234 : vector<16xf32>
        %parallel_loop3A_236 = arith.constant 0 : i32
        %parallel_loop3A_237 = arith.index_cast %parallel_loop3A_236 : i32 to index
        %parallel_loop3A_238 = arith.index_cast %parallel_loop3A_146 : i32 to index
        %parallel_loop3A_239 = arith.constant 80 : index
        %parallel_loop3A_240 = tpu.vector_load %arg7[%parallel_loop3A_237, %parallel_loop3A_238, %parallel_loop3A_239] {strides = array<i32>} : memref<2x128x128xf32, #tpu.memory_space<vmem>>, vector<1x1x16xf32>,
        %parallel_loop3A_241 = vector.shape_cast %parallel_loop3A_240 : vector<1x1x16xf32> to vector<16xf32>
        %parallel_loop3A_242 = vector.shape_cast %parallel_loop3A_235 : vector<16xf32> to vector<1x1x16xf32>
        tpu.vector_store %arg7[%parallel_loop3A_237, %parallel_loop3A_238, %parallel_loop3A_239], %parallel_loop3A_242 {strides = array<i32>} : memref<2x128x128xf32, #tpu.memory_space<vmem>>, vector<1x1x16xf32>,
        %parallel_loop3A_243 = arith.constant 0 : i32
        %parallel_loop3A_244 = arith.index_cast %parallel_loop3A_243 : i32 to index
        %parallel_loop3A_245 = arith.index_cast %parallel_loop3A_146 : i32 to index
        %parallel_loop3A_246 = arith.constant 96 : index
        %parallel_loop3A_247 = tpu.vector_load %arg6[%parallel_loop3A_244, %parallel_loop3A_245, %parallel_loop3A_246] {strides = array<i32>} : memref<2x128x128xf32, #tpu.memory_space<vmem>>, vector<1x1x16xf32>,
        %parallel_loop3A_248 = vector.shape_cast %parallel_loop3A_247 : vector<1x1x16xf32> to vector<16xf32>
        %parallel_loop3A_249 = arith.constant 11.3137083 : f32
        %parallel_loop3A_250 = vector.broadcast %parallel_loop3A_249 : f32 to vector<16xf32>
        %parallel_loop3A_251 = arith.mulf %parallel_loop3A_248, %parallel_loop3A_250 : vector<16xf32>
        %parallel_loop3A_252 = arith.constant 0 : i32
        %parallel_loop3A_253 = arith.index_cast %parallel_loop3A_252 : i32 to index
        %parallel_loop3A_254 = arith.index_cast %parallel_loop3A_146 : i32 to index
        %parallel_loop3A_255 = arith.constant 96 : index
        %parallel_loop3A_256 = tpu.vector_load %arg7[%parallel_loop3A_253, %parallel_loop3A_254, %parallel_loop3A_255] {strides = array<i32>} : memref<2x128x128xf32, #tpu.memory_space<vmem>>, vector<1x1x16xf32>,
        %parallel_loop3A_257 = vector.shape_cast %parallel_loop3A_256 : vector<1x1x16xf32> to vector<16xf32>
        %parallel_loop3A_258 = vector.shape_cast %parallel_loop3A_251 : vector<16xf32> to vector<1x1x16xf32>
        tpu.vector_store %arg7[%parallel_loop3A_253, %parallel_loop3A_254, %parallel_loop3A_255], %parallel_loop3A_258 {strides = array<i32>} : memref<2x128x128xf32, #tpu.memory_space<vmem>>, vector<1x1x16xf32>,
        %parallel_loop3A_259 = arith.constant 0 : i32
        %parallel_loop3A_260 = arith.index_cast %parallel_loop3A_259 : i32 to index
        %parallel_loop3A_261 = arith.index_cast %parallel_loop3A_146 : i32 to index
        %parallel_loop3A_262 = arith.constant 112 : index
        %parallel_loop3A_263 = tpu.vector_load %arg6[%parallel_loop3A_260, %parallel_loop3A_261, %parallel_loop3A_262] {strides = array<i32>} : memref<2x128x128xf32, #tpu.memory_space<vmem>>, vector<1x1x16xf32>,
        %parallel_loop3A_264 = vector.shape_cast %parallel_loop3A_263 : vector<1x1x16xf32> to vector<16xf32>
        %parallel_loop3A_265 = arith.constant 11.3137083 : f32
        %parallel_loop3A_266 = vector.broadcast %parallel_loop3A_265 : f32 to vector<16xf32>
        %parallel_loop3A_267 = arith.mulf %parallel_loop3A_264, %parallel_loop3A_266 : vector<16xf32>
        %parallel_loop3A_268 = arith.constant 0 : i32
        %parallel_loop3A_269 = arith.index_cast %parallel_loop3A_268 : i32 to index
        %parallel_loop3A_270 = arith.index_cast %parallel_loop3A_146 : i32 to index
        %parallel_loop3A_271 = arith.constant 112 : index
        %parallel_loop3A_272 = tpu.vector_load %arg7[%parallel_loop3A_269, %parallel_loop3A_270, %parallel_loop3A_271] {strides = array<i32>} : memref<2x128x128xf32, #tpu.memory_space<vmem>>, vector<1x1x16xf32>,
        %parallel_loop3A_273 = vector.shape_cast %parallel_loop3A_272 : vector<1x1x16xf32> to vector<16xf32>
        %parallel_loop3A_274 = vector.shape_cast %parallel_loop3A_267 : vector<16xf32> to vector<1x1x16xf32>
        tpu.vector_store %arg7[%parallel_loop3A_269, %parallel_loop3A_270, %parallel_loop3A_271], %parallel_loop3A_274 {strides = array<i32>} : memref<2x128x128xf32, #tpu.memory_space<vmem>>, vector<1x1x16xf32>,
      } {sc.loop_unroll_factor = 8 : i64, sc.parallel_access}
      %mul3A_82 = arith.constant 128 : i32
      %mul3A_83 = arith.muli %add3A_66, %mul3A_82 : i32
      %add3A_84 = arith.addi %mul3A_4, %mul3A_83 : i32
      %dma_start3A_85 = arith.constant 0 : i32
      %dma_start3A_86 = arith.constant 0 : i32
      %dma_start3A_87 = arith.constant 0 : i32
      %dma_start3A_88 = tpu.memref_slice %arg7[%dma_start3A_85, %dma_start3A_86, %dma_start3A_87] : memref<2x128x128xf32, #tpu.memory_space<vmem>> -> memref<1x128x128xf32, #tpu.memory_space<vmem>>
      %dma_start3A_89 = tpu.memref_squeeze %dma_start3A_88 : memref<1x128x128xf32, #tpu.memory_space<vmem>> -> memref<128x128xf32, #tpu.memory_space<vmem>>
      %dma_start3A_90 = arith.constant 0 : i32
      %dma_start3A_91 = tpu.memref_slice %arg4[%add3A_84, %dma_start3A_90] : memref<819200x128xf32, #tpu.memory_space<hbm>> -> memref<128x128xf32, #tpu.memory_space<hbm>>
      %dma_start3A_92 = arith.constant 0 : i32
      %dma_start3A_93 = tpu.memref_slice %arg4[%add3A_84, %dma_start3A_92] : memref<819200x128xf32, #tpu.memory_space<hbm>> -> memref<128x128xf32, #tpu.memory_space<hbm>>
      %dma_start3A_94 = arith.constant 0 : i32
      %dma_start3A_95 = arith.constant 0 : i32
      %dma_start3A_96 = tpu.memref_slice %arg7[%dma_start3A_85, %dma_start3A_94, %dma_start3A_95] : memref<2x128x128xf32, #tpu.memory_space<vmem>> -> memref<1x128x128xf32, #tpu.memory_space<vmem>>
      %dma_start3A_97 = tpu.memref_squeeze %dma_start3A_96 : memref<1x128x128xf32, #tpu.memory_space<vmem>> -> memref<128x128xf32, #tpu.memory_space<vmem>>
      tpu.enqueue_dma source(%dma_start3A_97 : memref<128x128xf32, #tpu.memory_space<vmem>>) target(%dma_start3A_93 : memref<128x128xf32, #tpu.memory_space<hbm>>) target_semaphore(%arg10 : memref<!tpu.dma_semaphore, #tpu.memory_space<semaphore_mem>>)
      %lt3A = arith.constant 99 : i32
      %lt3A_98 = arith.cmpi slt, %scan3A_62, %lt3A : i32
      %convert_element_type3A_99 = arith.extui %lt3A_98 : i1 to i32
      %cond3A_100 = arith.constant 0 : i32
      %cond3A_101 = arith.cmpi ne, %convert_element_type3A_99, %cond3A_100 : i32
      scf.if %cond3A_101 {
        %add3A_146 = arith.constant 2 : i32
        %add3A_147 = arith.addi %add3A_66, %add3A_146 : i32
        %dma_start3A_148 = arith.constant 0 : i32
        %dma_start3A_149 = arith.constant 0 : i32
        %dma_start3A_150 = arith.constant 0 : i32
        %dma_start3A_151 = tpu.memref_slice %arg6[%dma_start3A_148, %dma_start3A_149, %dma_start3A_150] : memref<2x128x128xf32, #tpu.memory_space<vmem>> -> memref<1x128x128xf32, #tpu.memory_space<vmem>>
        %dma_start3A_152 = tpu.memref_squeeze %dma_start3A_151 : memref<1x128x128xf32, #tpu.memory_space<vmem>> -> memref<128x128xf32, #tpu.memory_space<vmem>>
        %dma_start3A_153 = arith.constant 0 : i32
        %dma_start3A_154 = tpu.memref_slice %arg5[%add3A_147, %dma_start3A_153] : memref<200x128xi32, #tpu.memory_space<vmem>> -> memref<1x128xi32, #tpu.memory_space<vmem>>
        %dma_start3A_155 = tpu.memref_squeeze %dma_start3A_154 : memref<1x128xi32, #tpu.memory_space<vmem>> -> memref<128xi32, #tpu.memory_space<vmem>>
        %dma_start3A_156 = arith.constant 0 : i32
        %dma_start3A_157 = arith.constant 0 : i32
        %dma_start3A_158 = tpu.memref_slice %arg3[%dma_start3A_156, %dma_start3A_157] : memref<1000000x128xf32, #tpu.memory_space<hbm>> -> memref<1000000x128xf32, #tpu.memory_space<hbm>>
        tpu.enqueue_indirect_dma source(%dma_start3A_158 : memref<1000000x128xf32, #tpu.memory_space<hbm>>) target(%dma_start3A_152 : memref<128x128xf32, #tpu.memory_space<vmem>>) offsets(%dma_start3A_155 : memref<128xi32, #tpu.memory_space<vmem>>) semaphore(%arg8 : memref<!tpu.dma_semaphore, #tpu.memory_space<semaphore_mem>>)
      } else {
      }
      %mul3A_102 = arith.constant 2 : i32
      %mul3A_103 = arith.muli %scan3A_62, %mul3A_102 : i32
      %add3A_104 = arith.constant 1 : i32
      %add3A_105 = arith.addi %mul3A_103, %add3A_104 : i32
      %dma_wait3A_106 = arith.constant 1 : i32
      %dma_wait3A_107 = arith.constant 0 : i32
      %dma_wait3A_108 = arith.constant 0 : i32
      %dma_wait3A_109 = tpu.memref_slice %arg6[%dma_wait3A_106, %dma_wait3A_107, %dma_wait3A_108] : memref<2x128x128xf32, #tpu.memory_space<vmem>> -> memref<1x128x128xf32, #tpu.memory_space<vmem>>
      %dma_wait3A_110 = tpu.memref_squeeze %dma_wait3A_109 : memref<1x128x128xf32, #tpu.memory_space<vmem>> -> memref<128x128xf32, #tpu.memory_space<vmem>>
      %dma_wait3A_111 = arith.constant 0 : i32
      %dma_wait3A_112 = tpu.memref_slice %arg5[%add3A_105, %dma_wait3A_111] : memref<200x128xi32, #tpu.memory_space<vmem>> -> memref<1x128xi32, #tpu.memory_space<vmem>>
      %dma_wait3A_113 = tpu.memref_squeeze %dma_wait3A_112 : memref<1x128xi32, #tpu.memory_space<vmem>> -> memref<128xi32, #tpu.memory_space<vmem>>
      %dma_wait3A_114 = arith.constant 0 : i32
      %dma_wait3A_115 = arith.constant 0 : i32
      %dma_wait3A_116 = tpu.memref_slice %arg3[%dma_wait3A_114, %dma_wait3A_115] : memref<1000000x128xf32, #tpu.memory_space<hbm>> -> memref<1000000x128xf32, #tpu.memory_space<hbm>>
      tpu.wait_indirect_dma semaphore(%arg9 : memref<!tpu.dma_semaphore, #tpu.memory_space<semaphore_mem>>) src(%dma_wait3A_116 : memref<1000000x128xf32, #tpu.memory_space<hbm>>) dst(%dma_wait3A_110 : memref<128x128xf32, #tpu.memory_space<vmem>>)
      %gt3A_117 = arith.constant 0 : i32
      %gt3A_118 = arith.cmpi sgt, %scan3A_62, %gt3A_117 : i32
      %convert_element_type3A_119 = arith.extui %gt3A_118 : i1 to i32
      %cond3A_120 = arith.constant 0 : i32
      %cond3A_121 = arith.cmpi ne, %convert_element_type3A_119, %cond3A_120 : i32
      scf.if %cond3A_121 {
        %mul3A_146 = arith.constant 128 : i32
        %mul3A_147 = arith.muli %add3A_105, %mul3A_146 : i32
        %add3A_148 = arith.addi %mul3A_4, %mul3A_147 : i32
        %dma_wait3A_149 = arith.constant 1 : i32
        %dma_wait3A_150 = arith.constant 0 : i32
        %dma_wait3A_151 = arith.constant 0 : i32
        %dma_wait3A_152 = tpu.memref_slice %arg7[%dma_wait3A_149, %dma_wait3A_150, %dma_wait3A_151] : memref<2x128x128xf32, #tpu.memory_space<vmem>> -> memref<1x128x128xf32, #tpu.memory_space<vmem>>
        %dma_wait3A_153 = tpu.memref_squeeze %dma_wait3A_152 : memref<1x128x128xf32, #tpu.memory_space<vmem>> -> memref<128x128xf32, #tpu.memory_space<vmem>>
        %dma_wait3A_154 = arith.constant 0 : i32
        %dma_wait3A_155 = tpu.memref_slice %arg4[%add3A_148, %dma_wait3A_154] : memref<819200x128xf32, #tpu.memory_space<hbm>> -> memref<128x128xf32, #tpu.memory_space<hbm>>
        %dma_wait3A_156 = arith.constant 0 : i32
        %dma_wait3A_157 = tpu.memref_slice %arg4[%add3A_148, %dma_wait3A_156] : memref<819200x128xf32, #tpu.memory_space<hbm>> -> memref<128x128xf32, #tpu.memory_space<hbm>>
        %dma_wait3A_158 = arith.constant 0 : i32
        %dma_wait3A_159 = arith.constant 0 : i32
        %dma_wait3A_160 = tpu.memref_slice %arg7[%dma_wait3A_149, %dma_wait3A_158, %dma_wait3A_159] : memref<2x128x128xf32, #tpu.memory_space<vmem>> -> memref<1x128x128xf32, #tpu.memory_space<vmem>>
        %dma_wait3A_161 = tpu.memref_squeeze %dma_wait3A_160 : memref<1x128x128xf32, #tpu.memory_space<vmem>> -> memref<128x128xf32, #tpu.memory_space<vmem>>
        tpu.wait_dma2 semaphore(%arg11 : memref<!tpu.dma_semaphore, #tpu.memory_space<semaphore_mem>>) src(%dma_wait3A_161 : memref<128x128xf32, #tpu.memory_space<vmem>>) dst(%dma_wait3A_157 : memref<128x128xf32, #tpu.memory_space<hbm>>)
      } else {
      }
      %parallel_loop3A_122 = arith.constant 0 : i32
      %parallel_loop3A_123 = arith.constant 128 : i32
      %parallel_loop3A_124 = arith.constant 1 : i32
      scf.for %parallel_loop3A_146 = %parallel_loop3A_122 to %parallel_loop3A_123 step %parallel_loop3A_124  : i32 {
        %parallel_loop3A_147 = arith.constant 1 : i32
        %parallel_loop3A_148 = arith.index_cast %parallel_loop3A_147 : i32 to index
        %parallel_loop3A_149 = arith.index_cast %parallel_loop3A_146 : i32 to index
        %parallel_loop3A_150 = arith.constant 0 : index
        %parallel_loop3A_151 = tpu.vector_load %arg6[%parallel_loop3A_148, %parallel_loop3A_149, %parallel_loop3A_150] {strides = array<i32>} : memref<2x128x128xf32, #tpu.memory_space<vmem>>, vector<1x1x16xf32>,
        %parallel_loop3A_152 = vector.shape_cast %parallel_loop3A_151 : vector<1x1x16xf32> to vector<16xf32>
        %parallel_loop3A_153 = arith.constant 11.3137083 : f32
        %parallel_loop3A_154 = vector.broadcast %parallel_loop3A_153 : f32 to vector<16xf32>
        %parallel_loop3A_155 = arith.mulf %parallel_loop3A_152, %parallel_loop3A_154 : vector<16xf32>
        %parallel_loop3A_156 = arith.constant 1 : i32
        %parallel_loop3A_157 = arith.index_cast %parallel_loop3A_156 : i32 to index
        %parallel_loop3A_158 = arith.index_cast %parallel_loop3A_146 : i32 to index
        %parallel_loop3A_159 = arith.constant 0 : index
        %parallel_loop3A_160 = tpu.vector_load %arg7[%parallel_loop3A_157, %parallel_loop3A_158, %parallel_loop3A_159] {strides = array<i32>} : memref<2x128x128xf32, #tpu.memory_space<vmem>>, vector<1x1x16xf32>,
        %parallel_loop3A_161 = vector.shape_cast %parallel_loop3A_160 : vector<1x1x16xf32> to vector<16xf32>
        %parallel_loop3A_162 = vector.shape_cast %parallel_loop3A_155 : vector<16xf32> to vector<1x1x16xf32>
        tpu.vector_store %arg7[%parallel_loop3A_157, %parallel_loop3A_158, %parallel_loop3A_159], %parallel_loop3A_162 {strides = array<i32>} : memref<2x128x128xf32, #tpu.memory_space<vmem>>, vector<1x1x16xf32>,
        %parallel_loop3A_163 = arith.constant 1 : i32
        %parallel_loop3A_164 = arith.index_cast %parallel_loop3A_163 : i32 to index
        %parallel_loop3A_165 = arith.index_cast %parallel_loop3A_146 : i32 to index
        %parallel_loop3A_166 = arith.constant 16 : index
        %parallel_loop3A_167 = tpu.vector_load %arg6[%parallel_loop3A_164, %parallel_loop3A_165, %parallel_loop3A_166] {strides = array<i32>} : memref<2x128x128xf32, #tpu.memory_space<vmem>>, vector<1x1x16xf32>,
        %parallel_loop3A_168 = vector.shape_cast %parallel_loop3A_167 : vector<1x1x16xf32> to vector<16xf32>
        %parallel_loop3A_169 = arith.constant 11.3137083 : f32
        %parallel_loop3A_170 = vector.broadcast %parallel_loop3A_169 : f32 to vector<16xf32>
        %parallel_loop3A_171 = arith.mulf %parallel_loop3A_168, %parallel_loop3A_170 : vector<16xf32>
        %parallel_loop3A_172 = arith.constant 1 : i32
        %parallel_loop3A_173 = arith.index_cast %parallel_loop3A_172 : i32 to index
        %parallel_loop3A_174 = arith.index_cast %parallel_loop3A_146 : i32 to index
        %parallel_loop3A_175 = arith.constant 16 : index
        %parallel_loop3A_176 = tpu.vector_load %arg7[%parallel_loop3A_173, %parallel_loop3A_174, %parallel_loop3A_175] {strides = array<i32>} : memref<2x128x128xf32, #tpu.memory_space<vmem>>, vector<1x1x16xf32>,
        %parallel_loop3A_177 = vector.shape_cast %parallel_loop3A_176 : vector<1x1x16xf32> to vector<16xf32>
        %parallel_loop3A_178 = vector.shape_cast %parallel_loop3A_171 : vector<16xf32> to vector<1x1x16xf32>
        tpu.vector_store %arg7[%parallel_loop3A_173, %parallel_loop3A_174, %parallel_loop3A_175], %parallel_loop3A_178 {strides = array<i32>} : memref<2x128x128xf32, #tpu.memory_space<vmem>>, vector<1x1x16xf32>,
        %parallel_loop3A_179 = arith.constant 1 : i32
        %parallel_loop3A_180 = arith.index_cast %parallel_loop3A_179 : i32 to index
        %parallel_loop3A_181 = arith.index_cast %parallel_loop3A_146 : i32 to index
        %parallel_loop3A_182 = arith.constant 32 : index
        %parallel_loop3A_183 = tpu.vector_load %arg6[%parallel_loop3A_180, %parallel_loop3A_181, %parallel_loop3A_182] {strides = array<i32>} : memref<2x128x128xf32, #tpu.memory_space<vmem>>, vector<1x1x16xf32>,
        %parallel_loop3A_184 = vector.shape_cast %parallel_loop3A_183 : vector<1x1x16xf32> to vector<16xf32>
        %parallel_loop3A_185 = arith.constant 11.3137083 : f32
        %parallel_loop3A_186 = vector.broadcast %parallel_loop3A_185 : f32 to vector<16xf32>
        %parallel_loop3A_187 = arith.mulf %parallel_loop3A_184, %parallel_loop3A_186 : vector<16xf32>
        %parallel_loop3A_188 = arith.constant 1 : i32
        %parallel_loop3A_189 = arith.index_cast %parallel_loop3A_188 : i32 to index
        %parallel_loop3A_190 = arith.index_cast %parallel_loop3A_146 : i32 to index
        %parallel_loop3A_191 = arith.constant 32 : index
        %parallel_loop3A_192 = tpu.vector_load %arg7[%parallel_loop3A_189, %parallel_loop3A_190, %parallel_loop3A_191] {strides = array<i32>} : memref<2x128x128xf32, #tpu.memory_space<vmem>>, vector<1x1x16xf32>,
        %parallel_loop3A_193 = vector.shape_cast %parallel_loop3A_192 : vector<1x1x16xf32> to vector<16xf32>
        %parallel_loop3A_194 = vector.shape_cast %parallel_loop3A_187 : vector<16xf32> to vector<1x1x16xf32>
        tpu.vector_store %arg7[%parallel_loop3A_189, %parallel_loop3A_190, %parallel_loop3A_191], %parallel_loop3A_194 {strides = array<i32>} : memref<2x128x128xf32, #tpu.memory_space<vmem>>, vector<1x1x16xf32>,
        %parallel_loop3A_195 = arith.constant 1 : i32
        %parallel_loop3A_196 = arith.index_cast %parallel_loop3A_195 : i32 to index
        %parallel_loop3A_197 = arith.index_cast %parallel_loop3A_146 : i32 to index
        %parallel_loop3A_198 = arith.constant 48 : index
        %parallel_loop3A_199 = tpu.vector_load %arg6[%parallel_loop3A_196, %parallel_loop3A_197, %parallel_loop3A_198] {strides = array<i32>} : memref<2x128x128xf32, #tpu.memory_space<vmem>>, vector<1x1x16xf32>,
        %parallel_loop3A_200 = vector.shape_cast %parallel_loop3A_199 : vector<1x1x16xf32> to vector<16xf32>
        %parallel_loop3A_201 = arith.constant 11.3137083 : f32
        %parallel_loop3A_202 = vector.broadcast %parallel_loop3A_201 : f32 to vector<16xf32>
        %parallel_loop3A_203 = arith.mulf %parallel_loop3A_200, %parallel_loop3A_202 : vector<16xf32>
        %parallel_loop3A_204 = arith.constant 1 : i32
        %parallel_loop3A_205 = arith.index_cast %parallel_loop3A_204 : i32 to index
        %parallel_loop3A_206 = arith.index_cast %parallel_loop3A_146 : i32 to index
        %parallel_loop3A_207 = arith.constant 48 : index
        %parallel_loop3A_208 = tpu.vector_load %arg7[%parallel_loop3A_205, %parallel_loop3A_206, %parallel_loop3A_207] {strides = array<i32>} : memref<2x128x128xf32, #tpu.memory_space<vmem>>, vector<1x1x16xf32>,
        %parallel_loop3A_209 = vector.shape_cast %parallel_loop3A_208 : vector<1x1x16xf32> to vector<16xf32>
        %parallel_loop3A_210 = vector.shape_cast %parallel_loop3A_203 : vector<16xf32> to vector<1x1x16xf32>
        tpu.vector_store %arg7[%parallel_loop3A_205, %parallel_loop3A_206, %parallel_loop3A_207], %parallel_loop3A_210 {strides = array<i32>} : memref<2x128x128xf32, #tpu.memory_space<vmem>>, vector<1x1x16xf32>,
        %parallel_loop3A_211 = arith.constant 1 : i32
        %parallel_loop3A_212 = arith.index_cast %parallel_loop3A_211 : i32 to index
        %parallel_loop3A_213 = arith.index_cast %parallel_loop3A_146 : i32 to index
        %parallel_loop3A_214 = arith.constant 64 : index
        %parallel_loop3A_215 = tpu.vector_load %arg6[%parallel_loop3A_212, %parallel_loop3A_213, %parallel_loop3A_214] {strides = array<i32>} : memref<2x128x128xf32, #tpu.memory_space<vmem>>, vector<1x1x16xf32>,
        %parallel_loop3A_216 = vector.shape_cast %parallel_loop3A_215 : vector<1x1x16xf32> to vector<16xf32>
        %parallel_loop3A_217 = arith.constant 11.3137083 : f32
        %parallel_loop3A_218 = vector.broadcast %parallel_loop3A_217 : f32 to vector<16xf32>
        %parallel_loop3A_219 = arith.mulf %parallel_loop3A_216, %parallel_loop3A_218 : vector<16xf32>
        %parallel_loop3A_220 = arith.constant 1 : i32
        %parallel_loop3A_221 = arith.index_cast %parallel_loop3A_220 : i32 to index
        %parallel_loop3A_222 = arith.index_cast %parallel_loop3A_146 : i32 to index
        %parallel_loop3A_223 = arith.constant 64 : index
        %parallel_loop3A_224 = tpu.vector_load %arg7[%parallel_loop3A_221, %parallel_loop3A_222, %parallel_loop3A_223] {strides = array<i32>} : memref<2x128x128xf32, #tpu.memory_space<vmem>>, vector<1x1x16xf32>,
        %parallel_loop3A_225 = vector.shape_cast %parallel_loop3A_224 : vector<1x1x16xf32> to vector<16xf32>
        %parallel_loop3A_226 = vector.shape_cast %parallel_loop3A_219 : vector<16xf32> to vector<1x1x16xf32>
        tpu.vector_store %arg7[%parallel_loop3A_221, %parallel_loop3A_222, %parallel_loop3A_223], %parallel_loop3A_226 {strides = array<i32>} : memref<2x128x128xf32, #tpu.memory_space<vmem>>, vector<1x1x16xf32>,
        %parallel_loop3A_227 = arith.constant 1 : i32
        %parallel_loop3A_228 = arith.index_cast %parallel_loop3A_227 : i32 to index
        %parallel_loop3A_229 = arith.index_cast %parallel_loop3A_146 : i32 to index
        %parallel_loop3A_230 = arith.constant 80 : index
        %parallel_loop3A_231 = tpu.vector_load %arg6[%parallel_loop3A_228, %parallel_loop3A_229, %parallel_loop3A_230] {strides = array<i32>} : memref<2x128x128xf32, #tpu.memory_space<vmem>>, vector<1x1x16xf32>,
        %parallel_loop3A_232 = vector.shape_cast %parallel_loop3A_231 : vector<1x1x16xf32> to vector<16xf32>
        %parallel_loop3A_233 = arith.constant 11.3137083 : f32
        %parallel_loop3A_234 = vector.broadcast %parallel_loop3A_233 : f32 to vector<16xf32>
        %parallel_loop3A_235 = arith.mulf %parallel_loop3A_232, %parallel_loop3A_234 : vector<16xf32>
        %parallel_loop3A_236 = arith.constant 1 : i32
        %parallel_loop3A_237 = arith.index_cast %parallel_loop3A_236 : i32 to index
        %parallel_loop3A_238 = arith.index_cast %parallel_loop3A_146 : i32 to index
        %parallel_loop3A_239 = arith.constant 80 : index
        %parallel_loop3A_240 = tpu.vector_load %arg7[%parallel_loop3A_237, %parallel_loop3A_238, %parallel_loop3A_239] {strides = array<i32>} : memref<2x128x128xf32, #tpu.memory_space<vmem>>, vector<1x1x16xf32>,
        %parallel_loop3A_241 = vector.shape_cast %parallel_loop3A_240 : vector<1x1x16xf32> to vector<16xf32>
        %parallel_loop3A_242 = vector.shape_cast %parallel_loop3A_235 : vector<16xf32> to vector<1x1x16xf32>
        tpu.vector_store %arg7[%parallel_loop3A_237, %parallel_loop3A_238, %parallel_loop3A_239], %parallel_loop3A_242 {strides = array<i32>} : memref<2x128x128xf32, #tpu.memory_space<vmem>>, vector<1x1x16xf32>,
        %parallel_loop3A_243 = arith.constant 1 : i32
        %parallel_loop3A_244 = arith.index_cast %parallel_loop3A_243 : i32 to index
        %parallel_loop3A_245 = arith.index_cast %parallel_loop3A_146 : i32 to index
        %parallel_loop3A_246 = arith.constant 96 : index
        %parallel_loop3A_247 = tpu.vector_load %arg6[%parallel_loop3A_244, %parallel_loop3A_245, %parallel_loop3A_246] {strides = array<i32>} : memref<2x128x128xf32, #tpu.memory_space<vmem>>, vector<1x1x16xf32>,
        %parallel_loop3A_248 = vector.shape_cast %parallel_loop3A_247 : vector<1x1x16xf32> to vector<16xf32>
        %parallel_loop3A_249 = arith.constant 11.3137083 : f32
        %parallel_loop3A_250 = vector.broadcast %parallel_loop3A_249 : f32 to vector<16xf32>
        %parallel_loop3A_251 = arith.mulf %parallel_loop3A_248, %parallel_loop3A_250 : vector<16xf32>
        %parallel_loop3A_252 = arith.constant 1 : i32
        %parallel_loop3A_253 = arith.index_cast %parallel_loop3A_252 : i32 to index
        %parallel_loop3A_254 = arith.index_cast %parallel_loop3A_146 : i32 to index
        %parallel_loop3A_255 = arith.constant 96 : index
        %parallel_loop3A_256 = tpu.vector_load %arg7[%parallel_loop3A_253, %parallel_loop3A_254, %parallel_loop3A_255] {strides = array<i32>} : memref<2x128x128xf32, #tpu.memory_space<vmem>>, vector<1x1x16xf32>,
        %parallel_loop3A_257 = vector.shape_cast %parallel_loop3A_256 : vector<1x1x16xf32> to vector<16xf32>
        %parallel_loop3A_258 = vector.shape_cast %parallel_loop3A_251 : vector<16xf32> to vector<1x1x16xf32>
        tpu.vector_store %arg7[%parallel_loop3A_253, %parallel_loop3A_254, %parallel_loop3A_255], %parallel_loop3A_258 {strides = array<i32>} : memref<2x128x128xf32, #tpu.memory_space<vmem>>, vector<1x1x16xf32>,
        %parallel_loop3A_259 = arith.constant 1 : i32
        %parallel_loop3A_260 = arith.index_cast %parallel_loop3A_259 : i32 to index
        %parallel_loop3A_261 = arith.index_cast %parallel_loop3A_146 : i32 to index
        %parallel_loop3A_262 = arith.constant 112 : index
        %parallel_loop3A_263 = tpu.vector_load %arg6[%parallel_loop3A_260, %parallel_loop3A_261, %parallel_loop3A_262] {strides = array<i32>} : memref<2x128x128xf32, #tpu.memory_space<vmem>>, vector<1x1x16xf32>,
        %parallel_loop3A_264 = vector.shape_cast %parallel_loop3A_263 : vector<1x1x16xf32> to vector<16xf32>
        %parallel_loop3A_265 = arith.constant 11.3137083 : f32
        %parallel_loop3A_266 = vector.broadcast %parallel_loop3A_265 : f32 to vector<16xf32>
        %parallel_loop3A_267 = arith.mulf %parallel_loop3A_264, %parallel_loop3A_266 : vector<16xf32>
        %parallel_loop3A_268 = arith.constant 1 : i32
        %parallel_loop3A_269 = arith.index_cast %parallel_loop3A_268 : i32 to index
        %parallel_loop3A_270 = arith.index_cast %parallel_loop3A_146 : i32 to index
        %parallel_loop3A_271 = arith.constant 112 : index
        %parallel_loop3A_272 = tpu.vector_load %arg7[%parallel_loop3A_269, %parallel_loop3A_270, %parallel_loop3A_271] {strides = array<i32>} : memref<2x128x128xf32, #tpu.memory_space<vmem>>, vector<1x1x16xf32>,
        %parallel_loop3A_273 = vector.shape_cast %parallel_loop3A_272 : vector<1x1x16xf32> to vector<16xf32>
        %parallel_loop3A_274 = vector.shape_cast %parallel_loop3A_267 : vector<16xf32> to vector<1x1x16xf32>
        tpu.vector_store %arg7[%parallel_loop3A_269, %parallel_loop3A_270, %parallel_loop3A_271], %parallel_loop3A_274 {strides = array<i32>} : memref<2x128x128xf32, #tpu.memory_space<vmem>>, vector<1x1x16xf32>,
      } {sc.loop_unroll_factor = 8 : i64, sc.parallel_access}
      %mul3A_125 = arith.constant 128 : i32
      %mul3A_126 = arith.muli %add3A_105, %mul3A_125 : i32
      %add3A_127 = arith.addi %mul3A_4, %mul3A_126 : i32
      %dma_start3A_128 = arith.constant 1 : i32
      %dma_start3A_129 = arith.constant 0 : i32
      %dma_start3A_130 = arith.constant 0 : i32
      %dma_start3A_131 = tpu.memref_slice %arg7[%dma_start3A_128, %dma_start3A_129, %dma_start3A_130] : memref<2x128x128xf32, #tpu.memory_space<vmem>> -> memref<1x128x128xf32, #tpu.memory_space<vmem>>
      %dma_start3A_132 = tpu.memref_squeeze %dma_start3A_131 : memref<1x128x128xf32, #tpu.memory_space<vmem>> -> memref<128x128xf32, #tpu.memory_space<vmem>>
      %dma_start3A_133 = arith.constant 0 : i32
      %dma_start3A_134 = tpu.memref_slice %arg4[%add3A_127, %dma_start3A_133] : memref<819200x128xf32, #tpu.memory_space<hbm>> -> memref<128x128xf32, #tpu.memory_space<hbm>>
      %dma_start3A_135 = arith.constant 0 : i32
      %dma_start3A_136 = tpu.memref_slice %arg4[%add3A_127, %dma_start3A_135] : memref<819200x128xf32, #tpu.memory_space<hbm>> -> memref<128x128xf32, #tpu.memory_space<hbm>>
      %dma_start3A_137 = arith.constant 0 : i32
      %dma_start3A_138 = arith.constant 0 : i32
      %dma_start3A_139 = tpu.memref_slice %arg7[%dma_start3A_128, %dma_start3A_137, %dma_start3A_138] : memref<2x128x128xf32, #tpu.memory_space<vmem>> -> memref<1x128x128xf32, #tpu.memory_space<vmem>>
      %dma_start3A_140 = tpu.memref_squeeze %dma_start3A_139 : memref<1x128x128xf32, #tpu.memory_space<vmem>> -> memref<128x128xf32, #tpu.memory_space<vmem>>
      tpu.enqueue_dma source(%dma_start3A_140 : memref<128x128xf32, #tpu.memory_space<vmem>>) target(%dma_start3A_136 : memref<128x128xf32, #tpu.memory_space<hbm>>) target_semaphore(%arg11 : memref<!tpu.dma_semaphore, #tpu.memory_space<semaphore_mem>>)
      %lt3A_141 = arith.constant 99 : i32
      %lt3A_142 = arith.cmpi slt, %scan3A_62, %lt3A_141 : i32
      %convert_element_type3A_143 = arith.extui %lt3A_142 : i1 to i32
      %cond3A_144 = arith.constant 0 : i32
      %cond3A_145 = arith.cmpi ne, %convert_element_type3A_143, %cond3A_144 : i32
      scf.if %cond3A_145 {
        %add3A_146 = arith.constant 2 : i32
        %add3A_147 = arith.addi %add3A_105, %add3A_146 : i32
        %dma_start3A_148 = arith.constant 1 : i32
        %dma_start3A_149 = arith.constant 0 : i32
        %dma_start3A_150 = arith.constant 0 : i32
        %dma_start3A_151 = tpu.memref_slice %arg6[%dma_start3A_148, %dma_start3A_149, %dma_start3A_150] : memref<2x128x128xf32, #tpu.memory_space<vmem>> -> memref<1x128x128xf32, #tpu.memory_space<vmem>>
        %dma_start3A_152 = tpu.memref_squeeze %dma_start3A_151 : memref<1x128x128xf32, #tpu.memory_space<vmem>> -> memref<128x128xf32, #tpu.memory_space<vmem>>
        %dma_start3A_153 = arith.constant 0 : i32
        %dma_start3A_154 = tpu.memref_slice %arg5[%add3A_147, %dma_start3A_153] : memref<200x128xi32, #tpu.memory_space<vmem>> -> memref<1x128xi32, #tpu.memory_space<vmem>>
        %dma_start3A_155 = tpu.memref_squeeze %dma_start3A_154 : memref<1x128xi32, #tpu.memory_space<vmem>> -> memref<128xi32, #tpu.memory_space<vmem>>
        %dma_start3A_156 = arith.constant 0 : i32
        %dma_start3A_157 = arith.constant 0 : i32
        %dma_start3A_158 = tpu.memref_slice %arg3[%dma_start3A_156, %dma_start3A_157] : memref<1000000x128xf32, #tpu.memory_space<hbm>> -> memref<1000000x128xf32, #tpu.memory_space<hbm>>
        tpu.enqueue_indirect_dma source(%dma_start3A_158 : memref<1000000x128xf32, #tpu.memory_space<hbm>>) target(%dma_start3A_152 : memref<128x128xf32, #tpu.memory_space<vmem>>) offsets(%dma_start3A_155 : memref<128xi32, #tpu.memory_space<vmem>>) semaphore(%arg9 : memref<!tpu.dma_semaphore, #tpu.memory_space<semaphore_mem>>)
      } else {
      }
    }
    %scan3A_32 = arith.constant 100 : i32
    %add3A_33 = arith.constant 25344 : i32
    %add3A_34 = arith.addi %mul3A_4, %add3A_33 : i32
    %dma_wait3A = arith.constant 0 : i32
    %dma_wait3A_35 = arith.constant 0 : i32
    %dma_wait3A_36 = arith.constant 0 : i32
    %dma_wait3A_37 = tpu.memref_slice %arg7[%dma_wait3A, %dma_wait3A_35, %dma_wait3A_36] : memref<2x128x128xf32, #tpu.memory_space<vmem>> -> memref<1x128x128xf32, #tpu.memory_space<vmem>>
    %dma_wait3A_38 = tpu.memref_squeeze %dma_wait3A_37 : memref<1x128x128xf32, #tpu.memory_space<vmem>> -> memref<128x128xf32, #tpu.memory_space<vmem>>
    %dma_wait3A_39 = arith.constant 0 : i32
    %dma_wait3A_40 = tpu.memref_slice %arg4[%add3A_34, %dma_wait3A_39] : memref<819200x128xf32, #tpu.memory_space<hbm>> -> memref<128x128xf32, #tpu.memory_space<hbm>>
    %dma_wait3A_41 = arith.constant 0 : i32
    %dma_wait3A_42 = tpu.memref_slice %arg4[%add3A_34, %dma_wait3A_41] : memref<819200x128xf32, #tpu.memory_space<hbm>> -> memref<128x128xf32, #tpu.memory_space<hbm>>
    %dma_wait3A_43 = arith.constant 0 : i32
    %dma_wait3A_44 = arith.constant 0 : i32
    %dma_wait3A_45 = tpu.memref_slice %arg7[%dma_wait3A, %dma_wait3A_43, %dma_wait3A_44] : memref<2x128x128xf32, #tpu.memory_space<vmem>> -> memref<1x128x128xf32, #tpu.memory_space<vmem>>
    %dma_wait3A_46 = tpu.memref_squeeze %dma_wait3A_45 : memref<1x128x128xf32, #tpu.memory_space<vmem>> -> memref<128x128xf32, #tpu.memory_space<vmem>>
    tpu.wait_dma2 semaphore(%arg10 : memref<!tpu.dma_semaphore, #tpu.memory_space<semaphore_mem>>) src(%dma_wait3A_46 : memref<128x128xf32, #tpu.memory_space<vmem>>) dst(%dma_wait3A_42 : memref<128x128xf32, #tpu.memory_space<hbm>>)
    %add3A_47 = arith.constant 25472 : i32
    %add3A_48 = arith.addi %mul3A_4, %add3A_47 : i32
    %dma_wait3A_49 = arith.constant 1 : i32
    %dma_wait3A_50 = arith.constant 0 : i32
    %dma_wait3A_51 = arith.constant 0 : i32
    %dma_wait3A_52 = tpu.memref_slice %arg7[%dma_wait3A_49, %dma_wait3A_50, %dma_wait3A_51] : memref<2x128x128xf32, #tpu.memory_space<vmem>> -> memref<1x128x128xf32, #tpu.memory_space<vmem>>
    %dma_wait3A_53 = tpu.memref_squeeze %dma_wait3A_52 : memref<1x128x128xf32, #tpu.memory_space<vmem>> -> memref<128x128xf32, #tpu.memory_space<vmem>>
    %dma_wait3A_54 = arith.constant 0 : i32
    %dma_wait3A_55 = tpu.memref_slice %arg4[%add3A_48, %dma_wait3A_54] : memref<819200x128xf32, #tpu.memory_space<hbm>> -> memref<128x128xf32, #tpu.memory_space<hbm>>
    %dma_wait3A_56 = arith.constant 0 : i32
    %dma_wait3A_57 = tpu.memref_slice %arg4[%add3A_48, %dma_wait3A_56] : memref<819200x128xf32, #tpu.memory_space<hbm>> -> memref<128x128xf32, #tpu.memory_space<hbm>>
    %dma_wait3A_58 = arith.constant 0 : i32
    %dma_wait3A_59 = arith.constant 0 : i32
    %dma_wait3A_60 = tpu.memref_slice %arg7[%dma_wait3A_49, %dma_wait3A_58, %dma_wait3A_59] : memref<2x128x128xf32, #tpu.memory_space<vmem>> -> memref<1x128x128xf32, #tpu.memory_space<vmem>>
    %dma_wait3A_61 = tpu.memref_squeeze %dma_wait3A_60 : memref<1x128x128xf32, #tpu.memory_space<vmem>> -> memref<128x128xf32, #tpu.memory_space<vmem>>
    tpu.wait_dma2 semaphore(%arg11 : memref<!tpu.dma_semaphore, #tpu.memory_space<semaphore_mem>>) src(%dma_wait3A_61 : memref<128x128xf32, #tpu.memory_space<vmem>>) dst(%dma_wait3A_57 : memref<128x128xf32, #tpu.memory_space<hbm>>)
    return
  }
}

</mosaic_0001>

<sc_bundles>
// kernel: kernel.3.cloned.1.call-start
scs
__scs_entry_jumppad:
0x0: {  	(pc) =	sbr.rel $0x88, $3  }
0x1: {  	(tag) =	ssettag $0x0;
	lr =	simm.s32 $0x1  }
0x2: {  	[smem:$0x3F9F] =	sst lr;
	_ =	strace $0xD0000000  }
0x3: {  	_ = 	snop  }
0x4: {  	_ = 	snop  }
0x5: {  	_ = 	snop  }
0x6: {  	_ = 	snop  }
0x7: {  	_ = 	snop  }
__scs_overlays_trampoline_lowered:
0x8: {  	[smem:$0x3FAE] =	sst s0  }
0x9: {  	[smem:$0x3FAF] =	sst s1  }
0xa: {  	[smem:$0x3FB0] =	sst s2  }
0xb: {  	[smem:$0x3FB1] =	sst s3  }
0xc: {  	[smem:$0x3FB2] =	sst s4  }
0xd: {  	[smem:$0x3FB3] =	sst s5  }
0xe: {  	[smem:$0x3FB4] =	sst s6  }
0xf: {  	[smem:$0x3FB5] =	sst s7  }
0x10: {  	[smem:$0x3FB6] =	sst s8  }
0x11: {  	[smem:$0x3FB7] =	sst s9;
	s0 =	simm.s32 @!p0 $0x0  }
0x12: {  	s1 =	sld [smem:$0x3F9D];
	s0 =	simm.s32 @p0 $0x1  }
0x13: {  	[smem:$0x3FB8] =	sst s0;
	s0 =	simm.s32 @!p1 $0x0  }
0x14: {  	s2 =	sld [smem:$0x3F9C];
	s0 =	simm.s32 @p1 $0x1  }
0x15: {  	[smem:$0x3FB9] =	sst s0;
	s0 =	simm.s32 @!p2 $0x0  }
0x16: {  	s3 =	sld [smem:$0x3FDB];
	s0 =	simm.s32 @p2 $0x1  }
0x17: {  	s4 =	simm.s32 $0x1BF5;
	[smem:$0x3FBB] =	sst s0  }
0x18: {  	s0 =	sld [smem:$0x3F9E];
	_ =	swait.ge [sflag:s4], $0x0  }
0x19: {  	s7 =	sld [smem:$0x3F9F]  }
0x1a: {  	s8 =	sadd.s32 $0xFFFFE003, lr  }
0x1b: {  	s9 =	sadd.s32 $0xFFFFFEF7, lr;
	s5 =	simm.s32 $0xFFFFFFFF;
	p2 =	slt.u32 s8, $0xFFFFF086  }
0x1c: {  	p1 =	slt.u32 s9, $0xF7A;
	s5 =	simm.s32 @!p2 $0x0  }
0x1d: {  	s5 =	simm.s32 @p1 $0x1;
	p0 =	seq.s32 s7, s2  }
0x1e: {  	s7 =	smul.u32 @!p0 $0xF7A, s2;
	p2 =	seq.s32 @!p0 s5, $0x0  }
0x1f: {  	s9 =	smul.u32 $0xF7A, s1;
	s8 =	simm.s32 @!p0 $0x1BF5;
	p2 =	por !p2, p0  }
0x20: {  	[sflag:s8] =	ssyncset.s32 @!p0 $0xFFFFF086;
	s6 =	sadd.s32 @!p0 s3, s7;
	s7 =	simm.s32 @!p0 $0x108  }
0x21: {  	s3 =	sadd.s32 s3, s9;
	s6 =	sadd.s32 @!p0 $0x88, s6;
	s7 =	simm.s32 @p2 $0x1082  }
0x22: {  	[simem:s7], [sflag:s8] =	dma.local @!p0 [hbm:s6], $0xF7A  }
0x23: {  	s9 =	sor.u32 $0xD0000000, s2;
	s6 =	simm.s32 $0x108;
	_ =	swait.ge @!p0 [sflag:s8], $0x0  }
0x24: {  	s3 =	sadd.s32 $0x88, s3;
	s6 =	simm.s32 @!p1 $0x1082;
	[sflag:s4] =	ssyncset.s32 $0xFFFFF086  }
0x25: {  	[simem:s6], [sflag:s4] =	dma.local [hbm:s3], $0xF7A  }
0x26: {  	[smem:$0x3F9F] =	sst s1;
	(tag) =	ssettag s2;
	_ =	strace s9  }
0x27: {  	s1 =	sld [smem:$0x3FAF]  }
0x28: {  	s2 =	sld [smem:$0x3FB0]  }
0x29: {  	s4 =	sld [smem:$0x3FB2]  }
0x2a: {  	p0 =	seq.s32 s5, $0x0;
	s5 =	sld [smem:$0x3FB3]  }
0x2b: {  	s6 =	sld [smem:$0x3FB4]  }
0x2c: {  	s7 =	sld [smem:$0x3FB5]  }
0x2d: {  	s3 =	simm.s32 $0x108;
	s8 =	sld [smem:$0x3FB6]  }
0x2e: {  	s3 =	simm.s32 @!p0 $0x1082;
	s9 =	sld [smem:$0x3FB7]  }
0x2f: {  	lr =	sadd.s32 s0, s3;
	s0 =	sld [smem:$0x3FAE]  }
0x30: {  	s3 =	sld [smem:$0x3FB1]  }
0x31: {  	[smem:$0x3FBA] =	sst s10  }
0x32: {  	s10 =	sld [smem:$0x3FB8];
	_ =	sdelay $0x3  }
0x33: {  	p0 =	seq.s32 s10, $0x1;
	s10 =	sld [smem:$0x3FBA];
	_ =	sdelay $0x3  }
0x34: {  	[smem:$0x3FBA] =	sst s10  }
0x35: {  	s10 =	sld [smem:$0x3FB9];
	_ =	sdelay $0x3  }
0x36: {  	p1 =	seq.s32 s10, $0x1;
	s10 =	sld [smem:$0x3FBA];
	_ =	sdelay $0x3  }
0x37: {  	[smem:$0x3FBA] =	sst s10  }
0x38: {  	s10 =	sld [smem:$0x3FBB]  }
0x39: {  	_ = 	snop;
	(pc) =	sbr.ind lr, $3  }
0x3a: {  	_ = 	snop  }
0x3b: {  	_ = 	snop  }
0x3c: {  	p2 =	seq.s32 s10, $0x1;
	s10 =	sld [smem:$0x3FBA]  }
0x3d: {  	_ =	shalt  }
0x3e: {  	_ =	shalt  }
0x3f: {  	_ =	shalt  }
0x40: {  	_ =	shalt  }
0x41: {  	_ =	shalt  }
0x42: {  	_ =	shalt  }
0x43: {  	_ =	shalt  }
0x44: {  	_ =	shalt  }
0x45: {  	_ =	shalt  }
0x46: {  	_ =	shalt  }
0x47: {  	_ =	shalt  }
0x48: {  	_ =	shalt  }
0x49: {  	_ =	shalt  }
0x4a: {  	_ =	shalt  }
0x4b: {  	_ =	shalt  }
0x4c: {  	_ =	shalt  }
0x4d: {  	_ =	shalt  }
0x4e: {  	_ =	shalt  }
0x4f: {  	_ =	shalt  }
0x50: {  	_ =	shalt  }
0x51: {  	_ =	shalt  }
0x52: {  	_ =	shalt  }
0x53: {  	_ =	shalt  }
0x54: {  	_ =	shalt  }
0x55: {  	_ =	shalt  }
0x56: {  	_ =	shalt  }
0x57: {  	_ =	shalt  }
0x58: {  	_ =	shalt  }
0x59: {  	_ =	shalt  }
0x5a: {  	_ =	shalt  }
0x5b: {  	_ =	shalt  }
0x5c: {  	_ =	shalt  }
0x5d: {  	_ =	shalt  }
0x5e: {  	_ =	shalt  }
0x5f: {  	_ =	shalt  }
0x60: {  	_ =	shalt  }
0x61: {  	_ =	shalt  }
0x62: {  	_ =	shalt  }
0x63: {  	_ =	shalt  }
0x64: {  	_ =	shalt  }
0x65: {  	_ =	shalt  }
0x66: {  	_ =	shalt  }
0x67: {  	_ =	shalt  }
0x68: {  	_ =	shalt  }
0x69: {  	_ =	shalt  }
0x6a: {  	_ =	shalt  }
0x6b: {  	_ =	shalt  }
0x6c: {  	_ =	shalt  }
0x6d: {  	_ =	shalt  }
0x6e: {  	_ =	shalt  }
0x6f: {  	_ =	shalt  }
0x70: {  	_ =	shalt  }
0x71: {  	_ =	shalt  }
0x72: {  	_ =	shalt  }
0x73: {  	_ =	shalt  }
0x74: {  	_ =	shalt  }
0x75: {  	_ =	shalt  }
0x76: {  	_ =	shalt  }
0x77: {  	_ =	shalt  }
0x78: {  	_ =	shalt  }
0x79: {  	_ =	shalt  }
0x7a: {  	_ =	shalt  }
0x7b: {  	_ =	shalt  }
0x7c: {  	_ =	shalt  }
0x7d: {  	_ =	shalt  }
0x7e: {  	_ =	shalt  }
0x7f: {  	_ =	shalt  }
0x80: {  	_ =	shalt  }
0x81: {  	_ =	shalt  }
0x82: {  	_ =	shalt  }
0x83: {  	_ =	shalt  }
0x84: {  	_ =	shalt  }
0x85: {  	_ =	shalt  }
0x86: {  	_ =	shalt  }
0x87: {  	_ =	shalt  }
.Lfunc_end0:
.L_simem_size_0:
called_computation_lowered:
.L_overlay_start_0:
0x88: {  	s2 =	sld [smem:$0x3FD9]  }
0x89: {  	s3 =	sld [smem:$0x3FFE];
	_ =	sdelay $0x1  }
0x8a: {  	s1 =	srdreg.scid  }
0x8b: {  	s0 =	sand.u32 $0x1, s1  }
0x8c: {  	s17 =	sshll.u32 s0, $0xA;
	s2 =	sadd.s32 s3, s2  }
0x8d: {  	s2 =	sadd.s32 s2, s17  }
0x8e: {  	[smem:$0x3FC6] =	sst s2  }
0x8f: {  	_ = 	snop  }
0x90: {  	s2 =	sld [smem:$0x3FC8]  }
0x91: {  	s18 =	sld [smem:$0x3FD0];
	(tm) =	ssettm $0x1  }
0x92: {  	s4 =	sld [smem:$0x3FFB];
	_ =	sdelay $0x3  }
0x93: {  	_ =	strace s4  }
0x94: {  	s4 =	sld [smem:$0x3FFC];
	_ =	sdelay $0x3  }
0x95: {  	_ =	strace s4  }
0x96: {  	s4 =	sld [smem:$0x3FFD];
	_ =	sdelay $0x3  }
0x97: {  	_ =	strace s4  }
0x98: {  	_ =	strace $0x8FFFFFFF  }
0x99: {  	s19 =	sld [smem:$0x3FDB];
	_ =	sdelay $0x1  }
0x9a: {  	s5 =	simm.s32 $_scs_section_size  }
0x9b: {  	s6 =	simm.s32 $_size__tile_overlayer_lowered;
	s7 =	simm.s32 $_tile_overlayer_lowered  }
0x9c: {  	s22 =	simm.s32 $0x1BFF;
	s21 =	sshll.u32 s7, $0x1;
	s4 =	sadd.s32 s5, s19  }
0x9d: {  	s8 =	simm.s32 $0x0;
	s20 =	sshll.u32 s6, $0x1;
	s6 =	sadd.s32 s21, s4  }
0x9e: {  	[timem:s8], [sflag:s22] =	dma.local [hbm:s6], s20  }
0x9f: {  	_ =	swait.ge [sflag:s22], s20  }
0xa0: {  	s5 =	ssub.s32 $0x0, s20;
	[sflag:s22] =	ssyncset.done $0x0  }
0xa1: {  	[sflag:s22] =	ssyncadd.s32 s5;
	_ =	sdelay $0x1  }
0xa2: {  	s23 =	simm.s32 $0x1B8B  }
0xa3: {  	_ =	swait.ge [sflag:s23], $0x1  }
0xa4: {  	[sflag:s23] =	ssyncset.done $0x0  }
0xa5: {  	s25 =	simm.s32 $0x1B8E;
	s24 =	sld [smem:$0x3FFE];
	[sflag:s23] =	ssyncadd.s32 $0xFFFFFFFF  }
0xa6: {  	s26 =	simm.s32 $execute0_lowered;
	[smem:$0x3FD2] =	sst s25  }
0xa7: {  	s6 =	sshll.u32 s26, $0x1;
	_ =	strace $0x80000046;
	[dreg:$0x1] =	wrdreg $0xFFFFFFFF  }
0xa8: {  	s28 =	simm.s32 $_size_execute0_lowered;
	s4 =	sadd.s32 s4, s6;
	[dreg:$0x0] =	wrdreg $0x0  }
0xa9: {  	s6 =	sshll.u32 s28, $0x1;
	[dreg:$0x2] =	wrdreg s4  }
0xaa: {  	[dreg:$0x3] =	wrdreg s6  }
0xab: {  	[dreg:$0x4] =	wrdreg $0xC0  }
0xac: {  	_ =	task [dreg:s8], $0x5FFFF  }
0xad: {  	[dreg:$0x1] =	wrdreg $0xFFFFFFFF  }
0xae: {  	[dreg:$0x0] =	wrdreg $0x60  }
0xaf: {  	[dreg:$0x2] =	wrdreg s24  }
0xb0: {  	[dreg:$0x3] =	wrdreg s2  }
0xb1: {  	[dreg:$0x4] =	wrdreg s18  }
0xb2: {  	[dreg:$0x5] =	wrdreg $0x9  }
0xb3: {  	_ =	task.clear_ibuf [dreg:s8], $0x6FFFF;
	_ =	strace $0x90000046  }
0xb4: {  	s29 =	simm.s32 $0x9;
	_ =	strace $0x80000048  }
0xb5: {  	_ =	swait.ge [sflag:s29], $0x1  }
0xb6: {  	[sflag:s29] =	ssyncadd.s32 $0xFFFFFFFF  }
0xb7: {  	_ =	strace $0x90000048  }
0xb8: {  	_ =	sfence  }
0xb9: {  	s30 =	sld [smem:$0x0];
	_ =	sdelay $0x2  }
0xba: {  	s31 =	sshll.u32 s1, $0xD;
	s1 =	sshrl.u32 s1, $0x2  }
0xbb: {  	s3 =	sand.u32 $0x4000, s31;
	s1 =	sadd.s32 s1, s30  }
0xbc: {  	s0 =	sor.u32 s3, s0;
	s1 =	sshll.u32 s1, $0x11  }
0xbd: {  	s0 =	sor.u32 s1, s0  }
0xbe: {  	s0 =	sadd.s32 $0x8F2B, s0  }
0xbf: {  	[sflag:s0] =	ssyncadd.remote.s32 $0x1  }
0xc0: {  	_ =	sfence.sel $0xFFFF  }
0xc1: {  	[dreg:$0x0] =	wrdreg $0xFFFFFFFF;
	(pc) =	sbr.abs _section_cstart, $3  }
0xc2: {  	[dreg:$0x1] =	wrdreg $0xFFFFFFFF  }
0xc3: {  	_ =	task.clear_ibuf [dreg:s8], $0x2FFFF;
	_ =	strace $0x9FFFFFFF  }
0xc4: {  	(tm) =	ssettm $0x7FFFFFFF  }
0xc5: {  	_ =	shalt  }
tec
execute0_lowered:
.L_overlay_start_1:
0x0: {  	(tag) =	ssettag $0x1  }
0x1: {  	s5 =	rddreg [dreg:$0x0]  }
0x2: {  	s1 =	srdreg.scid;
	s2 =	rddreg [dreg:$0x1]  }
0x3: {  	s0 =	stileid.u32;
	s3 =	rddreg [dreg:$0x2]  }
0x4: {  	s4 =	simm.s32 $0x0;
	s10 =	simm.s32 $0x80;
	s11 =	simm.s32 $0x6400  }
0x5: {  	s12 =	simm.s32 $0xA400;
	s13 =	simm.s32 $0x1;
	s14 =	simm.s32 $0xE400  }
0x6: {  	s15 =	simm.s32 $0x2;
	s6 =	sand.u32 $0x1, s1;
	s29 =	sshll.u32 s0, $0x1  }
0x7: {  	s16 =	simm.s32 $0x4;
	s17 =	simm.s32 $0x12400;
	s7 =	sor.u32 s6, s29  }
0x8: {  	s18 =	simm.s32 $0x3;
	s19 =	simm.s32 $0x0;
	s8 =	smul.u32 $0xC80, s7  }
.Ltmp0:
0x9: {  	s1 =	rddreg [dreg:$0x3];
	s6 =	ssub.s32 $0x2, s6;
	(pc) =	sbr.rel .LBB2_1-.Ltmp0, $4  }
0xa: {  	[smem:$0x7FF] =	sst s4;
	s30 =	sshrl.u32 s6, $0x1;
	s9 =	smul.u32 $0x64000, s7  }
0xb: {  	_ =	strace $0x80000047;
	s5 =	sadd.s32 s8, s5;
	s8 =	ssub.s32 s6, s30  }
0xc: {  	s6 =	smul.u32 $0x320000, s7;
	s31 =	sadd.s32 s9, s3;
	s9 =	simm.s32 $0x5  }
0xd: {  	s5 =	sadd.s32 $0x400, s5;
	s7 =	smax.u32 s8, $0x1;
	s8 =	sadd.s32 $0x800, s31  }
.LBB2_12:
0xe: {  	s19 =	sadd.s32 $0x1, s19  }
0xf: {  	_ =	swait.ge [sflag:s18], $0x4000;
	p0 =	sne.s32 s19, s7  }
.Ltmp1:
0x10: {  	[sflag:s18] =	ssyncset.done $0x0;
	(pc) =	sbr.rel @!p0 .LBB2_13-.Ltmp1, $4  }
0x11: {  	[sflag:s18] =	ssyncadd.s32 $0xFFFFC000  }
0x12: {  	_ =	swait.ge [sflag:s16], $0x4000  }
0x13: {  	[sflag:s16] =	ssyncset.done $0x0  }
0x14: {  	[sflag:s16] =	ssyncadd.s32 $0xFFFFC000  }
.LBB2_1:
0x15: {  	[tilespmem:s4], [sflag:$0x5] =	stream.linear.gather [hbm4b:s5+s4], $0x6400, $0x38;
	[tilespmem:$0x16400] =	vst v63  }
0x16: {  	_ =	swait.ge [sflag:s9], $0x6400  }
0x17: {  	[sflag:s9] =	ssyncset.done $0x0  }
0x18: {  	[sflag:s9] =	ssyncadd.s32 $0xFFFF9C00  }
0x19: {  	[tilespmem:s11], [sflag:$0x1] =	stream.indirect.gather [hbm4b:s2+s10], $0x80, s4, s10, $0xb8;
	[tilespmem:$0x16400] =	vst v63  }
0x1a: {  	s20 =	simm.s32 $0x0  }
0x1b: {  	[tilespmem:s12], [sflag:$0x2] =	stream.indirect.gather [hbm4b:s2+s10], $0x80, s10, s10, $0xb8;
	[tilespmem:$0x16400] =	vst v63  }
.LBB2_2:
0x1c: {  	_ =	swait.ge [sflag:s13], $0x4000  }
0x1d: {  	p0 =	seq.s32 s20, $0x0;
	[sflag:s13] =	ssyncset.done $0x0  }
0x1e: {  	s21 =	simm.s32 @!p0 $0x3;
	[sflag:s13] =	ssyncadd.s32 $0xFFFFC000  }
0x1f: {  	_ =	swait.ge @!p0 [sflag:s21], $0x4000  }
0x20: {  	[sflag:s21] =	ssyncset.done @!p0 $0x0  }
0x21: {  	s23 =	simm.s32 $0x6600;
	[sflag:s21] =	ssyncadd.s32 @!p0 $0xFFFFC000  }
0x22: {  	v0 =	vld [tilespmem:s23+$0x180]  }
0x23: {  	v1 =	vld [tilespmem:s23+$0xFFFFFE80]  }
0x24: {  	v2 =	vld [tilespmem:s23+$0xFFFFFF00]  }
0x25: {  	v3 =	vld [tilespmem:s23+$0xFFFFFF80]  }
0x26: {  	v4 =	vld [tilespmem:s23+$0x0]  }
0x27: {  	v5 =	vld [tilespmem:s23+$0x80];
	v0 =	vmul.f32 $1.131370830e+01, v0  }
0x28: {  	s21 =	simm.s32 $0xE600;
	v6 =	vld [tilespmem:s23+$0x100];
	v1 =	vmul.f32 $1.131370830e+01, v1  }
0x29: {  	v7 =	vld [tilespmem:s23+$0xFFFFFE00];
	v2 =	vmul.f32 $1.131370830e+01, v2;
	[tilespmem:s21+$0x180] =	vst v0  }
0x2a: {  	[tilespmem:s21+$0xFFFFFE80] =	vst v1;
	v0 =	vmul.f32 $1.131370830e+01, v3;
	v1 =	vld [tilespmem:s23+$0x190]  }
0x2b: {  	[tilespmem:s21+$0xFFFFFF00] =	vst v2;
	v2 =	vmul.f32 $1.131370830e+01, v4;
	v3 =	vld [tilespmem:s23+$0xFFFFFE90]  }
0x2c: {  	v4 =	vld [tilespmem:s23+$0xFFFFFF10];
	[tilespmem:s21+$0xFFFFFF80] =	vst v0;
	v0 =	vmul.f32 $1.131370830e+01, v5  }
0x2d: {  	[tilespmem:s21+$0x0] =	vst v2;
	v2 =	vmul.f32 $1.131370830e+01, v6;
	v5 =	vld [tilespmem:s23+$0xFFFFFF90]  }
0x2e: {  	v6 =	vmul.f32 $1.131370830e+01, v7;
	v7 =	vld [tilespmem:s23+$0x10];
	[tilespmem:s21+$0x80] =	vst v0  }
0x2f: {  	[tilespmem:s21+$0x100] =	vst v2;
	v0 =	vld [tilespmem:s23+$0x90];
	v1 =	vmul.f32 $1.131370830e+01, v1  }
0x30: {  	[tilespmem:s21+$0xFFFFFE00] =	vst v6;
	v2 =	vmul.f32 $1.131370830e+01, v3;
	v3 =	vld [tilespmem:s23+$0x110]  }
0x31: {  	v6 =	vld [tilespmem:s23+$0xFFFFFE10];
	v4 =	vmul.f32 $1.131370830e+01, v4;
	[tilespmem:s21+$0x190] =	vst v1  }
0x32: {  	[tilespmem:s21+$0xFFFFFE90] =	vst v2;
	v1 =	vmul.f32 $1.131370830e+01, v5;
	v2 =	vld [tilespmem:s23+$0x1A0]  }
0x33: {  	[tilespmem:s21+$0xFFFFFF10] =	vst v4;
	v4 =	vmul.f32 $1.131370830e+01, v7;
	v5 =	vld [tilespmem:s23+$0xFFFFFEA0]  }
0x34: {  	v7 =	vld [tilespmem:s23+$0xFFFFFF20];
	[tilespmem:s21+$0xFFFFFF90] =	vst v1;
	v0 =	vmul.f32 $1.131370830e+01, v0  }
0x35: {  	[tilespmem:s21+$0x10] =	vst v4;
	v1 =	vld [tilespmem:s23+$0xFFFFFFA0];
	v3 =	vmul.f32 $1.131370830e+01, v3  }
0x36: {  	v4 =	vmul.f32 $1.131370830e+01, v6;
	v6 =	vld [tilespmem:s23+$0x20];
	[tilespmem:s21+$0x90] =	vst v0  }
0x37: {  	v0 =	vld [tilespmem:s23+$0xA0];
	[tilespmem:s21+$0x110] =	vst v3;
	v2 =	vmul.f32 $1.131370830e+01, v2  }
0x38: {  	[tilespmem:s21+$0xFFFFFE10] =	vst v4;
	v3 =	vmul.f32 $1.131370830e+01, v5;
	v4 =	vld [tilespmem:s23+$0x120]  }
0x39: {  	v5 =	vld [tilespmem:s23+$0xFFFFFE20];
	v7 =	vmul.f32 $1.131370830e+01, v7;
	[tilespmem:s21+$0x1A0] =	vst v2  }
0x3a: {  	[tilespmem:s21+$0xFFFFFEA0] =	vst v3;
	v1 =	vmul.f32 $1.131370830e+01, v1;
	v2 =	vld [tilespmem:s23+$0x1B0]  }
0x3b: {  	[tilespmem:s21+$0xFFFFFF20] =	vst v7;
	v6 =	vmul.f32 $1.131370830e+01, v6;
	v3 =	vld [tilespmem:s23+$0xFFFFFEB0]  }
0x3c: {  	v7 =	vld [tilespmem:s23+$0xFFFFFF30];
	[tilespmem:s21+$0xFFFFFFA0] =	vst v1;
	v0 =	vmul.f32 $1.131370830e+01, v0  }
0x3d: {  	[tilespmem:s21+$0x20] =	vst v6;
	v1 =	vld [tilespmem:s23+$0xFFFFFFB0];
	v4 =	vmul.f32 $1.131370830e+01, v4  }
0x3e: {  	v5 =	vmul.f32 $1.131370830e+01, v5;
	v6 =	vld [tilespmem:s23+$0x30];
	[tilespmem:s21+$0xA0] =	vst v0  }
0x3f: {  	v0 =	vld [tilespmem:s23+$0xB0];
	[tilespmem:s21+$0x120] =	vst v4;
	v2 =	vmul.f32 $1.131370830e+01, v2  }
0x40: {  	[tilespmem:s21+$0xFFFFFE20] =	vst v5;
	v3 =	vmul.f32 $1.131370830e+01, v3;
	v4 =	vld [tilespmem:s23+$0x130]  }
0x41: {  	v5 =	vld [tilespmem:s23+$0xFFFFFE30];
	v7 =	vmul.f32 $1.131370830e+01, v7;
	[tilespmem:s21+$0x1B0] =	vst v2  }
0x42: {  	[tilespmem:s21+$0xFFFFFEB0] =	vst v3;
	v1 =	vmul.f32 $1.131370830e+01, v1;
	v2 =	vld [tilespmem:s23+$0x1C0]  }
0x43: {  	[tilespmem:s21+$0xFFFFFF30] =	vst v7;
	v6 =	vmul.f32 $1.131370830e+01, v6;
	v3 =	vld [tilespmem:s23+$0xFFFFFEC0]  }
0x44: {  	v7 =	vld [tilespmem:s23+$0xFFFFFF40];
	[tilespmem:s21+$0xFFFFFFB0] =	vst v1;
	v0 =	vmul.f32 $1.131370830e+01, v0  }
0x45: {  	[tilespmem:s21+$0x30] =	vst v6;
	v1 =	vld [tilespmem:s23+$0xFFFFFFC0];
	v4 =	vmul.f32 $1.131370830e+01, v4  }
0x46: {  	v5 =	vmul.f32 $1.131370830e+01, v5;
	v6 =	vld [tilespmem:s23+$0x40];
	[tilespmem:s21+$0xB0] =	vst v0  }
0x47: {  	v0 =	vld [tilespmem:s23+$0xC0];
	[tilespmem:s21+$0x130] =	vst v4;
	v2 =	vmul.f32 $1.131370830e+01, v2  }
0x48: {  	[tilespmem:s21+$0xFFFFFE30] =	vst v5;
	v3 =	vmul.f32 $1.131370830e+01, v3;
	v4 =	vld [tilespmem:s23+$0x140]  }
0x49: {  	v5 =	vld [tilespmem:s23+$0xFFFFFE40];
	v7 =	vmul.f32 $1.131370830e+01, v7;
	[tilespmem:s21+$0x1C0] =	vst v2  }
0x4a: {  	[tilespmem:s21+$0xFFFFFEC0] =	vst v3;
	v1 =	vmul.f32 $1.131370830e+01, v1;
	v2 =	vld [tilespmem:s23+$0x1D0]  }
0x4b: {  	[tilespmem:s21+$0xFFFFFF40] =	vst v7;
	v6 =	vmul.f32 $1.131370830e+01, v6;
	v3 =	vld [tilespmem:s23+$0xFFFFFED0]  }
0x4c: {  	v7 =	vld [tilespmem:s23+$0xFFFFFF50];
	[tilespmem:s21+$0xFFFFFFC0] =	vst v1;
	v0 =	vmul.f32 $1.131370830e+01, v0  }
0x4d: {  	[tilespmem:s21+$0x40] =	vst v6;
	v1 =	vld [tilespmem:s23+$0xFFFFFFD0];
	v4 =	vmul.f32 $1.131370830e+01, v4  }
0x4e: {  	v5 =	vmul.f32 $1.131370830e+01, v5;
	v6 =	vld [tilespmem:s23+$0x50];
	[tilespmem:s21+$0xC0] =	vst v0  }
0x4f: {  	v0 =	vld [tilespmem:s23+$0xD0];
	[tilespmem:s21+$0x140] =	vst v4;
	v2 =	vmul.f32 $1.131370830e+01, v2  }
0x50: {  	[tilespmem:s21+$0xFFFFFE40] =	vst v5;
	v3 =	vmul.f32 $1.131370830e+01, v3;
	v4 =	vld [tilespmem:s23+$0x150]  }
0x51: {  	v5 =	vld [tilespmem:s23+$0xFFFFFE50];
	v7 =	vmul.f32 $1.131370830e+01, v7;
	[tilespmem:s21+$0x1D0] =	vst v2  }
0x52: {  	[tilespmem:s21+$0xFFFFFED0] =	vst v3;
	v1 =	vmul.f32 $1.131370830e+01, v1;
	v2 =	vld [tilespmem:s23+$0x1E0]  }
0x53: {  	[tilespmem:s21+$0xFFFFFF50] =	vst v7;
	v6 =	vmul.f32 $1.131370830e+01, v6;
	v3 =	vld [tilespmem:s23+$0xFFFFFEE0]  }
0x54: {  	v7 =	vld [tilespmem:s23+$0xFFFFFF60];
	[tilespmem:s21+$0xFFFFFFD0] =	vst v1;
	v0 =	vmul.f32 $1.131370830e+01, v0  }
0x55: {  	[tilespmem:s21+$0x50] =	vst v6;
	v1 =	vld [tilespmem:s23+$0xFFFFFFE0];
	v4 =	vmul.f32 $1.131370830e+01, v4  }
0x56: {  	v5 =	vmul.f32 $1.131370830e+01, v5;
	v6 =	vld [tilespmem:s23+$0x60];
	[tilespmem:s21+$0xD0] =	vst v0  }
0x57: {  	v0 =	vld [tilespmem:s23+$0xE0];
	[tilespmem:s21+$0x150] =	vst v4;
	v2 =	vmul.f32 $1.131370830e+01, v2  }
0x58: {  	[tilespmem:s21+$0xFFFFFE50] =	vst v5;
	v3 =	vmul.f32 $1.131370830e+01, v3;
	v4 =	vld [tilespmem:s23+$0x160]  }
0x59: {  	v5 =	vld [tilespmem:s23+$0xFFFFFE60];
	v7 =	vmul.f32 $1.131370830e+01, v7;
	[tilespmem:s21+$0x1E0] =	vst v2  }
0x5a: {  	[tilespmem:s21+$0xFFFFFEE0] =	vst v3;
	v1 =	vmul.f32 $1.131370830e+01, v1;
	v3 =	vld [tilespmem:s23+$0x1F0]  }
0x5b: {  	[tilespmem:s21+$0xFFFFFF60] =	vst v7;
	v2 =	vmul.f32 $1.131370830e+01, v6;
	v8 =	vld [tilespmem:s23+$0xFFFFFEF0]  }
0x5c: {  	v7 =	vld [tilespmem:s23+$0xFFFFFF70];
	[tilespmem:s21+$0xFFFFFFE0] =	vst v1;
	v1 =	vmul.f32 $1.131370830e+01, v0  }
0x5d: {  	[tilespmem:s21+$0x60] =	vst v2;
	v0 =	vld [tilespmem:s23+$0xFFFFFFF0];
	v4 =	vmul.f32 $1.131370830e+01, v4  }
0x5e: {  	v5 =	vmul.f32 $1.131370830e+01, v5;
	v2 =	vld [tilespmem:s23+$0x70];
	[tilespmem:s21+$0xE0] =	vst v1  }
0x5f: {  	v1 =	vld [tilespmem:s23+$0xF0];
	[tilespmem:s21+$0x160] =	vst v4;
	v9 =	vmul.f32 $1.131370830e+01, v3  }
0x60: {  	[tilespmem:s21+$0xFFFFFE60] =	vst v5;
	v3 =	vld [tilespmem:s23+$0x170];
	v6 =	vmul.f32 $1.131370830e+01, v8  }
0x61: {  	s22 =	simm.s32 $0x0;
	v4 =	vld [tilespmem:s23+$0xFFFFFE70];
	v5 =	vmul.f32 $1.131370830e+01, v7;
	s23 =	simm.s32 $0x6A00;
	[tilespmem:s21+$0x1F0] =	vst v9  }
.LBB2_3:
0x62: {  	v7 =	vld [tilespmem:s23+$0x180];
	s22 =	sadd.s32 $0x8, s22;
	[tilespmem:s21+$0xFFFFFEF0] =	vst v6;
	v0 =	vmul.f32 $1.131370830e+01, v0  }
0x63: {  	v6 =	vld [tilespmem:s23+$0xFFFFFE80];
	p1 =	slt.u32 s22, $0x78;
	[tilespmem:s21+$0xFFFFFF70] =	vst v5;
	v2 =	vmul.f32 $1.131370830e+01, v2  }
0x64: {  	v5 =	vld [tilespmem:s23+$0xFFFFFF00];
	[tilespmem:s21+$0xFFFFFFF0] =	vst v0;
	v0 =	vmul.f32 $1.131370830e+01, v1  }
0x65: {  	v1 =	vld [tilespmem:s23+$0xFFFFFF80];
	[tilespmem:s21+$0x70] =	vst v2;
	v2 =	vmul.f32 $1.131370830e+01, v3  }
0x66: {  	v3 =	vld [tilespmem:s23+$0x0];
	v4 =	vmul.f32 $1.131370830e+01, v4;
	[tilespmem:s21+$0xF0] =	vst v0  }
0x67: {  	v0 =	vld [tilespmem:s23+$0x80];
	v7 =	vmul.f32 $1.131370830e+01, v7;
	[tilespmem:s21+$0x170] =	vst v2  }
0x68: {  	v2 =	vmul.f32 $1.131370830e+01, v6;
	v6 =	vld [tilespmem:s23+$0x100];
	[tilespmem:s21+$0xFFFFFE70] =	vst v4;
	s21 =	sadd.s32 $0x400, s21  }
0x69: {  	v4 =	vld [tilespmem:s23+$0xFFFFFE00];
	v5 =	vmul.f32 $1.131370830e+01, v5;
	[tilespmem:s21+$0x180] =	vst v7  }
0x6a: {  	[tilespmem:s21+$0xFFFFFE80] =	vst v2;
	v1 =	vmul.f32 $1.131370830e+01, v1;
	v2 =	vld [tilespmem:s23+$0x190]  }
0x6b: {  	v7 =	vld [tilespmem:s23+$0xFFFFFE90];
	[tilespmem:s21+$0xFFFFFF00] =	vst v5;
	v3 =	vmul.f32 $1.131370830e+01, v3  }
0x6c: {  	v5 =	vld [tilespmem:s23+$0xFFFFFF10];
	[tilespmem:s21+$0xFFFFFF80] =	vst v1;
	v0 =	vmul.f32 $1.131370830e+01, v0  }
0x6d: {  	v1 =	vld [tilespmem:s23+$0xFFFFFF90];
	[tilespmem:s21+$0x0] =	vst v3;
	v3 =	vmul.f32 $1.131370830e+01, v6  }
0x6e: {  	v4 =	vmul.f32 $1.131370830e+01, v4;
	v6 =	vld [tilespmem:s23+$0x10];
	[tilespmem:s21+$0x80] =	vst v0  }
0x6f: {  	v0 =	vld [tilespmem:s23+$0x90];
	[tilespmem:s21+$0x100] =	vst v3;
	v2 =	vmul.f32 $1.131370830e+01, v2  }
0x70: {  	[tilespmem:s21+$0xFFFFFE00] =	vst v4;
	v3 =	vmul.f32 $1.131370830e+01, v7;
	v4 =	vld [tilespmem:s23+$0x110]  }
0x71: {  	v7 =	vld [tilespmem:s23+$0xFFFFFE10];
	v5 =	vmul.f32 $1.131370830e+01, v5;
	[tilespmem:s21+$0x190] =	vst v2  }
0x72: {  	[tilespmem:s21+$0xFFFFFE90] =	vst v3;
	v1 =	vmul.f32 $1.131370830e+01, v1;
	v2 =	vld [tilespmem:s23+$0x1A0]  }
0x73: {  	v3 =	vld [tilespmem:s23+$0xFFFFFEA0];
	[tilespmem:s21+$0xFFFFFF10] =	vst v5;
	v5 =	vmul.f32 $1.131370830e+01, v6  }
0x74: {  	v6 =	vld [tilespmem:s23+$0xFFFFFF20];
	[tilespmem:s21+$0xFFFFFF90] =	vst v1;
	v0 =	vmul.f32 $1.131370830e+01, v0  }
0x75: {  	v1 =	vld [tilespmem:s23+$0xFFFFFFA0];
	[tilespmem:s21+$0x10] =	vst v5;
	v4 =	vmul.f32 $1.131370830e+01, v4  }
0x76: {  	v5 =	vmul.f32 $1.131370830e+01, v7;
	v7 =	vld [tilespmem:s23+$0x20];
	[tilespmem:s21+$0x90] =	vst v0  }
0x77: {  	v0 =	vld [tilespmem:s23+$0xA0];
	[tilespmem:s21+$0x110] =	vst v4;
	v2 =	vmul.f32 $1.131370830e+01, v2  }
0x78: {  	[tilespmem:s21+$0xFFFFFE10] =	vst v5;
	v3 =	vmul.f32 $1.131370830e+01, v3;
	v4 =	vld [tilespmem:s23+$0x120]  }
0x79: {  	v5 =	vld [tilespmem:s23+$0xFFFFFE20];
	v6 =	vmul.f32 $1.131370830e+01, v6;
	[tilespmem:s21+$0x1A0] =	vst v2  }
0x7a: {  	[tilespmem:s21+$0xFFFFFEA0] =	vst v3;
	v1 =	vmul.f32 $1.131370830e+01, v1;
	v2 =	vld [tilespmem:s23+$0x1B0]  }
0x7b: {  	v3 =	vld [tilespmem:s23+$0xFFFFFEB0];
	[tilespmem:s21+$0xFFFFFF20] =	vst v6;
	v6 =	vmul.f32 $1.131370830e+01, v7  }
0x7c: {  	v7 =	vld [tilespmem:s23+$0xFFFFFF30];
	[tilespmem:s21+$0xFFFFFFA0] =	vst v1;
	v0 =	vmul.f32 $1.131370830e+01, v0  }
0x7d: {  	v1 =	vld [tilespmem:s23+$0xFFFFFFB0];
	[tilespmem:s21+$0x20] =	vst v6;
	v4 =	vmul.f32 $1.131370830e+01, v4  }
0x7e: {  	v5 =	vmul.f32 $1.131370830e+01, v5;
	v6 =	vld [tilespmem:s23+$0x30];
	[tilespmem:s21+$0xA0] =	vst v0  }
0x7f: {  	v0 =	vld [tilespmem:s23+$0xB0];
	[tilespmem:s21+$0x120] =	vst v4;
	v2 =	vmul.f32 $1.131370830e+01, v2  }
0x80: {  	[tilespmem:s21+$0xFFFFFE20] =	vst v5;
	v3 =	vmul.f32 $1.131370830e+01, v3;
	v4 =	vld [tilespmem:s23+$0x130]  }
0x81: {  	v5 =	vld [tilespmem:s23+$0xFFFFFE30];
	v7 =	vmul.f32 $1.131370830e+01, v7;
	[tilespmem:s21+$0x1B0] =	vst v2  }
0x82: {  	[tilespmem:s21+$0xFFFFFEB0] =	vst v3;
	v1 =	vmul.f32 $1.131370830e+01, v1;
	v2 =	vld [tilespmem:s23+$0x1C0]  }
0x83: {  	v3 =	vld [tilespmem:s23+$0xFFFFFEC0];
	[tilespmem:s21+$0xFFFFFF30] =	vst v7;
	v6 =	vmul.f32 $1.131370830e+01, v6  }
0x84: {  	v7 =	vld [tilespmem:s23+$0xFFFFFF40];
	[tilespmem:s21+$0xFFFFFFB0] =	vst v1;
	v0 =	vmul.f32 $1.131370830e+01, v0  }
0x85: {  	v1 =	vld [tilespmem:s23+$0xFFFFFFC0];
	[tilespmem:s21+$0x30] =	vst v6;
	v4 =	vmul.f32 $1.131370830e+01, v4  }
0x86: {  	v5 =	vmul.f32 $1.131370830e+01, v5;
	v6 =	vld [tilespmem:s23+$0x40];
	[tilespmem:s21+$0xB0] =	vst v0  }
0x87: {  	v0 =	vld [tilespmem:s23+$0xC0];
	[tilespmem:s21+$0x130] =	vst v4;
	v2 =	vmul.f32 $1.131370830e+01, v2  }
0x88: {  	[tilespmem:s21+$0xFFFFFE30] =	vst v5;
	v3 =	vmul.f32 $1.131370830e+01, v3;
	v4 =	vld [tilespmem:s23+$0x140]  }
0x89: {  	v5 =	vld [tilespmem:s23+$0xFFFFFE40];
	v7 =	vmul.f32 $1.131370830e+01, v7;
	[tilespmem:s21+$0x1C0] =	vst v2  }
0x8a: {  	[tilespmem:s21+$0xFFFFFEC0] =	vst v3;
	v1 =	vmul.f32 $1.131370830e+01, v1;
	v2 =	vld [tilespmem:s23+$0x1D0]  }
0x8b: {  	v3 =	vld [tilespmem:s23+$0xFFFFFED0];
	[tilespmem:s21+$0xFFFFFF40] =	vst v7;
	v6 =	vmul.f32 $1.131370830e+01, v6  }
0x8c: {  	v7 =	vld [tilespmem:s23+$0xFFFFFF50];
	[tilespmem:s21+$0xFFFFFFC0] =	vst v1;
	v0 =	vmul.f32 $1.131370830e+01, v0  }
0x8d: {  	v1 =	vld [tilespmem:s23+$0xFFFFFFD0];
	[tilespmem:s21+$0x40] =	vst v6;
	v4 =	vmul.f32 $1.131370830e+01, v4  }
0x8e: {  	v5 =	vmul.f32 $1.131370830e+01, v5;
	v6 =	vld [tilespmem:s23+$0x50];
	[tilespmem:s21+$0xC0] =	vst v0  }
0x8f: {  	v0 =	vld [tilespmem:s23+$0xD0];
	[tilespmem:s21+$0x140] =	vst v4;
	v2 =	vmul.f32 $1.131370830e+01, v2  }
0x90: {  	[tilespmem:s21+$0xFFFFFE40] =	vst v5;
	v3 =	vmul.f32 $1.131370830e+01, v3;
	v4 =	vld [tilespmem:s23+$0x150]  }
0x91: {  	v5 =	vld [tilespmem:s23+$0xFFFFFE50];
	v7 =	vmul.f32 $1.131370830e+01, v7;
	[tilespmem:s21+$0x1D0] =	vst v2  }
0x92: {  	[tilespmem:s21+$0xFFFFFED0] =	vst v3;
	v1 =	vmul.f32 $1.131370830e+01, v1;
	v2 =	vld [tilespmem:s23+$0x1E0]  }
0x93: {  	v3 =	vld [tilespmem:s23+$0xFFFFFEE0];
	[tilespmem:s21+$0xFFFFFF50] =	vst v7;
	v6 =	vmul.f32 $1.131370830e+01, v6  }
0x94: {  	v7 =	vld [tilespmem:s23+$0xFFFFFF60];
	[tilespmem:s21+$0xFFFFFFD0] =	vst v1;
	v0 =	vmul.f32 $1.131370830e+01, v0  }
0x95: {  	v1 =	vld [tilespmem:s23+$0xFFFFFFE0];
	[tilespmem:s21+$0x50] =	vst v6;
	v4 =	vmul.f32 $1.131370830e+01, v4  }
0x96: {  	v5 =	vmul.f32 $1.131370830e+01, v5;
	v6 =	vld [tilespmem:s23+$0x60];
	[tilespmem:s21+$0xD0] =	vst v0  }
0x97: {  	v0 =	vld [tilespmem:s23+$0xE0];
	[tilespmem:s21+$0x150] =	vst v4;
	v2 =	vmul.f32 $1.131370830e+01, v2  }
0x98: {  	[tilespmem:s21+$0xFFFFFE50] =	vst v5;
	v3 =	vmul.f32 $1.131370830e+01, v3;
	v4 =	vld [tilespmem:s23+$0x160]  }
0x99: {  	v5 =	vld [tilespmem:s23+$0xFFFFFE60];
	v7 =	vmul.f32 $1.131370830e+01, v7;
	[tilespmem:s21+$0x1E0] =	vst v2  }
0x9a: {  	[tilespmem:s21+$0xFFFFFEE0] =	vst v3;
	v1 =	vmul.f32 $1.131370830e+01, v1;
	v3 =	vld [tilespmem:s23+$0x1F0]  }
0x9b: {  	v8 =	vld [tilespmem:s23+$0xFFFFFEF0];
	[tilespmem:s21+$0xFFFFFF60] =	vst v7;
	v2 =	vmul.f32 $1.131370830e+01, v6  }
0x9c: {  	v7 =	vld [tilespmem:s23+$0xFFFFFF70];
	[tilespmem:s21+$0xFFFFFFE0] =	vst v1;
	v1 =	vmul.f32 $1.131370830e+01, v0  }
.Ltmp2:
0x9d: {  	v0 =	vld [tilespmem:s23+$0xFFFFFFF0];
	[tilespmem:s21+$0x60] =	vst v2;
	v4 =	vmul.f32 $1.131370830e+01, v4;
	(pc) =	sbr.rel @p1 .LBB2_3-.Ltmp2, $4  }
0x9e: {  	v5 =	vmul.f32 $1.131370830e+01, v5;
	v2 =	vld [tilespmem:s23+$0x70];
	[tilespmem:s21+$0xE0] =	vst v1  }
0x9f: {  	v1 =	vld [tilespmem:s23+$0xF0];
	[tilespmem:s21+$0x160] =	vst v4;
	v9 =	vmul.f32 $1.131370830e+01, v3  }
0xa0: {  	[tilespmem:s21+$0xFFFFFE60] =	vst v5;
	v6 =	vmul.f32 $1.131370830e+01, v8;
	v3 =	vld [tilespmem:s23+$0x170]  }
0xa1: {  	v4 =	vld [tilespmem:s23+$0xFFFFFE70];
	v5 =	vmul.f32 $1.131370830e+01, v7;
	[tilespmem:s21+$0x1F0] =	vst v9;
	s23 =	sadd.s32 $0x400, s23  }
0xa2: {  	[tilespmem:s21+$0xFFFFFEF0] =	vst v6;
	v0 =	vmul.f32 $1.131370830e+01, v0  }
0xa3: {  	[tilespmem:s21+$0xFFFFFF70] =	vst v5;
	v2 =	vmul.f32 $1.131370830e+01, v2  }
0xa4: {  	p1 =	sne.s32 s20, $0x63;
	[tilespmem:s21+$0xFFFFFFF0] =	vst v0;
	v61 =	vmul.f32 $1.131370830e+01, v1  }
.Ltmp3:
0xa5: {  	s22 =	sshll.u32 s20, $0xF;
	[tilespmem:s21+$0x70] =	vst v2;
	v62 =	vmul.f32 $1.131370830e+01, v3;
	(pc) =	sbr.rel @p1 .LBB2_6-.Ltmp3, $4  }
0xa6: {  	s22 =	sadd.s32 s6, s22;
	v63 =	vmul.f32 $1.131370830e+01, v4;
	[tilespmem:s21+$0xF0] =	vst v61  }
0xa7: {  	s22 =	sshrl.u32 s22, $0x3;
	[tilespmem:s21+$0x170] =	vst v62  }
0xa8: {  	s31 =	sadd.s32 s3, s22;
	[tilespmem:s21+$0xFFFFFE70] =	vst v63  }
0xa9: {  	[hbm4b:s31+s4] =	stream.linear.scatter [tilespmem:s14], [sflag:$0x3], $0x4000, $0x38;
	[tilespmem:$0x16400] =	vst v63  }
.Ltmp4:
0xaa: {  	(pc) =	sbr.rel .LBB2_7-.Ltmp4, $4  }
0xab: {  	_ = 	snop  }
0xac: {  	_ =	swait.ge [sflag:s15], $0x4000  }
0xad: {  	[sflag:s15] =	ssyncset.done $0x0  }
0xae: {  	[sflag:s15] =	ssyncadd.s32 $0xFFFFC000  }
.LBB2_6:
0xaf: {  	s21 =	sshll.u32 s20, $0x8  }
0xb0: {  	s21 =	sand.u32 $0x3FFFFF00, s21  }
.Ltmp5:
0xb1: {  	s21 =	sadd.s32 $0x100, s21;
	(pc) =	sbr.rel @p0 .LBB2_8-.Ltmp5, $4  }
0xb2: {  	[tilespmem:s11], [sflag:$0x1] =	stream.indirect.gather [hbm4b:s2+s10], $0x80, s21, s10, $0xb8;
	[tilespmem:$0x16400] =	vst v63  }
0xb3: {  	_ =	swait.ge [sflag:s15], $0x4000  }
0xb4: {  	[sflag:s15] =	ssyncset.done $0x0  }
0xb5: {  	[sflag:s15] =	ssyncadd.s32 $0xFFFFC000  }
.LBB2_7:
0xb6: {  	_ =	swait.ge [sflag:s16], $0x4000  }
0xb7: {  	[sflag:s16] =	ssyncset.done $0x0  }
0xb8: {  	[sflag:s16] =	ssyncadd.s32 $0xFFFFC000  }
.LBB2_8:
0xb9: {  	s21 =	simm.s32 $0x0  }
0xba: {  	v0 =	vld [tilespmem:s21+$0xA400]  }
0xbb: {  	v1 =	vld [tilespmem:s21+$0xA410]  }
0xbc: {  	v7 =	vld [tilespmem:s21+$0xA7F0]  }
0xbd: {  	v2 =	vld [tilespmem:s21+$0xA420]  }
0xbe: {  	v3 =	vld [tilespmem:s21+$0xA430]  }
0xbf: {  	v4 =	vld [tilespmem:s21+$0xA440]  }
0xc0: {  	v11 =	vld [tilespmem:s21+$0xA4B0];
	v0 =	vmul.f32 $1.131370830e+01, v0  }
0xc1: {  	v5 =	vld [tilespmem:s21+$0xA450];
	v7 =	vmul.f32 $1.131370830e+01, v7  }
0xc2: {  	v8 =	vld [tilespmem:s21+$0xA480];
	v1 =	vmul.f32 $1.131370830e+01, v1;
	[tilespmem:s21+$0x12400] =	vst v0  }
0xc3: {  	v6 =	vld [tilespmem:s21+$0xA460];
	v2 =	vmul.f32 $1.131370830e+01, v2;
	[tilespmem:s21+$0x127F0] =	vst v7  }
0xc4: {  	v9 =	vld [tilespmem:s21+$0xA490];
	v3 =	vmul.f32 $1.131370830e+01, v3;
	[tilespmem:s21+$0x12410] =	vst v1  }
0xc5: {  	v10 =	vld [tilespmem:s21+$0xA4A0];
	v60 =	vmul.f32 $1.131370830e+01, v11;
	[tilespmem:s21+$0x12420] =	vst v2  }
0xc6: {  	v59 =	vld [tilespmem:s21+$0xA540];
	v2 =	vmul.f32 $1.131370830e+01, v4;
	[tilespmem:s21+$0x12430] =	vst v3  }
0xc7: {  	v0 =	vld [tilespmem:s21+$0xA470];
	v7 =	vmul.f32 $1.131370830e+01, v8;
	[tilespmem:s21+$0x124B0] =	vst v60  }
0xc8: {  	v1 =	vld [tilespmem:s21+$0xA4E0];
	[tilespmem:s21+$0x12440] =	vst v2;
	v2 =	vmul.f32 $1.131370830e+01, v6  }
0xc9: {  	v3 =	vmul.f32 $1.131370830e+01, v5;
	v5 =	vld [tilespmem:s21+$0xA500];
	[tilespmem:s21+$0x12480] =	vst v7  }
0xca: {  	v12 =	vld [tilespmem:s21+$0xA4C0];
	[tilespmem:s21+$0x12460] =	vst v2;
	v2 =	vmul.f32 $1.131370830e+01, v9  }
0xcb: {  	[tilespmem:s21+$0x12450] =	vst v3;
	v3 =	vld [tilespmem:s21+$0xA520];
	v9 =	vmul.f32 $1.131370830e+01, v59  }
0xcc: {  	v61 =	vld [tilespmem:s21+$0xA570];
	v0 =	vmul.f32 $1.131370830e+01, v0;
	[tilespmem:s21+$0x12490] =	vst v2  }
0xcd: {  	v8 =	vld [tilespmem:s21+$0xA4D0];
	v1 =	vmul.f32 $1.131370830e+01, v1;
	[tilespmem:s21+$0x12540] =	vst v9  }
0xce: {  	v6 =	vld [tilespmem:s21+$0xA510];
	v2 =	vmul.f32 $1.131370830e+01, v5;
	[tilespmem:s21+$0x12470] =	vst v0  }
0xcf: {  	v4 =	vld [tilespmem:s21+$0xA4F0];
	v0 =	vmul.f32 $1.131370830e+01, v10;
	[tilespmem:s21+$0x124E0] =	vst v1  }
0xd0: {  	v7 =	vld [tilespmem:s21+$0xA530];
	v3 =	vmul.f32 $1.131370830e+01, v3;
	[tilespmem:s21+$0x12500] =	vst v2  }
0xd1: {  	v2 =	vmul.f32 $1.131370830e+01, v12;
	[tilespmem:s21+$0x124A0] =	vst v0;
	v0 =	vld [tilespmem:s21+$0xA560]  }
0xd2: {  	v8 =	vmul.f32 $1.131370830e+01, v8;
	[tilespmem:s21+$0x12520] =	vst v3;
	v3 =	vld [tilespmem:s21+$0xA5D0]  }
0xd3: {  	v1 =	vmul.f32 $1.131370830e+01, v6;
	[tilespmem:s21+$0x124C0] =	vst v2;
	v2 =	vld [tilespmem:s21+$0xA580]  }
0xd4: {  	v4 =	vmul.f32 $1.131370830e+01, v4;
	[tilespmem:s21+$0x124D0] =	vst v8;
	v8 =	vld [tilespmem:s21+$0xA590]  }
0xd5: {  	v5 =	vld [tilespmem:s21+$0xA550];
	[tilespmem:s21+$0x12510] =	vst v1;
	v1 =	vmul.f32 $1.131370830e+01, v7  }
0xd6: {  	[tilespmem:s21+$0x124F0] =	vst v4;
	v4 =	vld [tilespmem:s21+$0xA5B0];
	v0 =	vmul.f32 $1.131370830e+01, v0  }
0xd7: {  	v62 =	vld [tilespmem:s21+$0xA600];
	[tilespmem:s21+$0x12530] =	vst v1;
	v3 =	vmul.f32 $1.131370830e+01, v3  }
0xd8: {  	v6 =	vld [tilespmem:s21+$0xA5A0];
	v2 =	vmul.f32 $1.131370830e+01, v2;
	[tilespmem:s21+$0x12560] =	vst v0  }
0xd9: {  	v7 =	vld [tilespmem:s21+$0xA5C0];
	v0 =	vmul.f32 $1.131370830e+01, v8;
	[tilespmem:s21+$0x125D0] =	vst v3  }
0xda: {  	v1 =	vld [tilespmem:s21+$0xA5E0];
	[tilespmem:s21+$0x12580] =	vst v2;
	v2 =	vmul.f32 $1.131370830e+01, v5  }
0xdb: {  	v5 =	vld [tilespmem:s21+$0xA5F0];
	[tilespmem:s21+$0x12590] =	vst v0;
	v0 =	vmul.f32 $1.131370830e+01, v4  }
0xdc: {  	[tilespmem:s21+$0x12550] =	vst v2;
	v2 =	vmul.f32 $1.131370830e+01, v61  }
0xdd: {  	v8 =	vld [tilespmem:s21+$0xA610];
	[tilespmem:s21+$0x125B0] =	vst v0;
	v0 =	vmul.f32 $1.131370830e+01, v62  }
0xde: {  	[tilespmem:s21+$0x12570] =	vst v2;
	v2 =	vmul.f32 $1.131370830e+01, v6;
	v6 =	vld [tilespmem:s21+$0xA620]  }
0xdf: {  	v4 =	vld [tilespmem:s21+$0xA630];
	[tilespmem:s21+$0x12600] =	vst v0;
	v0 =	vmul.f32 $1.131370830e+01, v1  }
0xe0: {  	v1 =	vmul.f32 $1.131370830e+01, v5;
	[tilespmem:s21+$0x125A0] =	vst v2;
	v2 =	vmul.f32 $1.131370830e+01, v7;
	v7 =	vld [tilespmem:s21+$0xA640]  }
0xe1: {  	v63 =	vld [tilespmem:s21+$0xA650];
	[tilespmem:s21+$0x125E0] =	vst v0  }
0xe2: {  	v5 =	vld [tilespmem:s21+$0xA680];
	v0 =	vmul.f32 $1.131370830e+01, v8;
	[tilespmem:s21+$0x125F0] =	vst v1  }
0xe3: {  	[tilespmem:s21+$0x125C0] =	vst v2;
	v2 =	vld [tilespmem:s21+$0xA660];
	v1 =	vmul.f32 $1.131370830e+01, v6  }
0xe4: {  	v3 =	vld [tilespmem:s21+$0xA670];
	[tilespmem:s21+$0x12610] =	vst v0;
	v0 =	vmul.f32 $1.131370830e+01, v4  }
0xe5: {  	v6 =	vld [tilespmem:s21+$0xA690];
	[tilespmem:s21+$0x12620] =	vst v1;
	v1 =	vmul.f32 $1.131370830e+01, v7  }
0xe6: {  	v4 =	vld [tilespmem:s21+$0xA6A0];
	[tilespmem:s21+$0x12630] =	vst v0;
	v0 =	vmul.f32 $1.131370830e+01, v63  }
0xe7: {  	v7 =	vld [tilespmem:s21+$0xA6B0];
	[tilespmem:s21+$0x12640] =	vst v1;
	v1 =	vmul.f32 $1.131370830e+01, v5  }
0xe8: {  	v2 =	vmul.f32 $1.131370830e+01, v2;
	[tilespmem:s21+$0x12650] =	vst v0;
	v0 =	vld [tilespmem:s21+$0xA6E0]  }
0xe9: {  	v8 =	vld [tilespmem:s21+$0xA6C0];
	[tilespmem:s21+$0x12680] =	vst v1;
	v1 =	vmul.f32 $1.131370830e+01, v3  }
0xea: {  	v5 =	vld [tilespmem:s21+$0xA6D0];
	[tilespmem:s21+$0x12660] =	vst v2;
	v2 =	vmul.f32 $1.131370830e+01, v6  }
0xeb: {  	v3 =	vld [tilespmem:s21+$0xA6F0];
	[tilespmem:s21+$0x12670] =	vst v1;
	v1 =	vmul.f32 $1.131370830e+01, v4  }
0xec: {  	v4 =	vld [tilespmem:s21+$0xA700];
	[tilespmem:s21+$0x12690] =	vst v2;
	v2 =	vmul.f32 $1.131370830e+01, v7  }
0xed: {  	v6 =	vld [tilespmem:s21+$0xA710];
	v0 =	vmul.f32 $1.131370830e+01, v0;
	[tilespmem:s21+$0x126A0] =	vst v1  }
0xee: {  	v7 =	vld [tilespmem:s21+$0xA720];
	v1 =	vmul.f32 $1.131370830e+01, v8;
	[tilespmem:s21+$0x126B0] =	vst v2  }
0xef: {  	v2 =	vmul.f32 $1.131370830e+01, v5;
	v5 =	vld [tilespmem:s21+$0xA730];
	[tilespmem:s21+$0x126E0] =	vst v0  }
0xf0: {  	v3 =	vmul.f32 $1.131370830e+01, v3;
	[tilespmem:s21+$0x126C0] =	vst v1;
	v1 =	vld [tilespmem:s21+$0xA740]  }
0xf1: {  	[tilespmem:s21+$0x126D0] =	vst v2;
	v2 =	vmul.f32 $1.131370830e+01, v4;
	v4 =	vld [tilespmem:s21+$0xA750]  }
0xf2: {  	v8 =	vld [tilespmem:s21+$0xA760];
	v0 =	vmul.f32 $1.131370830e+01, v6;
	[tilespmem:s21+$0x126F0] =	vst v3  }
0xf3: {  	v6 =	vld [tilespmem:s21+$0xA770];
	[tilespmem:s21+$0x12700] =	vst v2;
	v2 =	vmul.f32 $1.131370830e+01, v7  }
0xf4: {  	[tilespmem:s21+$0x12710] =	vst v0;
	v0 =	vmul.f32 $1.131370830e+01, v5;
	v5 =	vld [tilespmem:s21+$0xA780]  }
0xf5: {  	v3 =	vld [tilespmem:s21+$0xA790];
	[tilespmem:s21+$0x12720] =	vst v2;
	v1 =	vmul.f32 $1.131370830e+01, v1  }
0xf6: {  	[tilespmem:s21+$0x12730] =	vst v0;
	v0 =	vld [tilespmem:s21+$0xA7A0];
	v2 =	vmul.f32 $1.131370830e+01, v4  }
0xf7: {  	v4 =	vmul.f32 $1.131370830e+01, v8;
	[tilespmem:s21+$0x12740] =	vst v1;
	v1 =	vld [tilespmem:s21+$0xA7B0]  }
0xf8: {  	v6 =	vmul.f32 $1.131370830e+01, v6;
	[tilespmem:s21+$0x12750] =	vst v2;
	v2 =	vld [tilespmem:s21+$0xA7C0]  }
0xf9: {  	s22 =	simm.s32 $0x0;
	s23 =	simm.s32 $0x1000;
	[tilespmem:s21+$0x12760] =	vst v4;
	v5 =	vmul.f32 $1.131370830e+01, v5;
	v4 =	vld [tilespmem:s21+$0xA7D0]  }
.LBB2_9:
0xfa: {  	s24 =	sshra.s32 s23, $0x2;
	s22 =	sadd.s32 $0x8, s22;
	[tilespmem:s21+$0x12770] =	vst v6;
	v3 =	vmul.f32 $1.131370830e+01, v3;
	v6 =	vld [tilespmem:s21+$0xA7E0]  }
0xfb: {  	v7 =	vld [tilespmem:s24+$0xA7F0];
	p0 =	slt.u32 s22, $0x78;
	[tilespmem:s21+$0x12780] =	vst v5;
	v0 =	vmul.f32 $1.131370830e+01, v0  }
0xfc: {  	v5 =	vld [tilespmem:s24+$0xA400];
	[tilespmem:s21+$0x12790] =	vst v3;
	v1 =	vmul.f32 $1.131370830e+01, v1  }
0xfd: {  	v3 =	vld [tilespmem:s24+$0xA410];
	[tilespmem:s21+$0x127A0] =	vst v0;
	v0 =	vmul.f32 $1.131370830e+01, v2  }
0xfe: {  	v2 =	vld [tilespmem:s24+$0xA420];
	[tilespmem:s21+$0x127B0] =	vst v1;
	v1 =	vmul.f32 $1.131370830e+01, v4  }
0xff: {  	v4 =	vld [tilespmem:s24+$0xA430];
	[tilespmem:s21+$0x127C0] =	vst v0;
	v0 =	vmul.f32 $1.131370830e+01, v6  }
0x100: {  	v6 =	vld [tilespmem:s24+$0xA440];
	v7 =	vmul.f32 $1.131370830e+01, v7;
	[tilespmem:s21+$0x127D0] =	vst v1  }
0x101: {  	v1 =	vmul.f32 $1.131370830e+01, v5;
	v5 =	vld [tilespmem:s24+$0xA450];
	[tilespmem:s21+$0x127E0] =	vst v0;
	s21 =	smov.u32 s24  }
0x102: {  	v0 =	vmul.f32 $1.131370830e+01, v3;
	v3 =	vld [tilespmem:s21+$0xA460];
	[tilespmem:s21+$0x127F0] =	vst v7  }
0x103: {  	[tilespmem:s21+$0x12400] =	vst v1;
	v1 =	vmul.f32 $1.131370830e+01, v2;
	v2 =	vld [tilespmem:s21+$0xA470]  }
0x104: {  	[tilespmem:s21+$0x12410] =	vst v0;
	v0 =	vmul.f32 $1.131370830e+01, v4;
	v4 =	vld [tilespmem:s21+$0xA480]  }
0x105: {  	[tilespmem:s21+$0x12420] =	vst v1;
	v1 =	vmul.f32 $1.131370830e+01, v6;
	v6 =	vld [tilespmem:s21+$0xA490]  }
0x106: {  	[tilespmem:s21+$0x12430] =	vst v0;
	v0 =	vmul.f32 $1.131370830e+01, v5;
	v5 =	vld [tilespmem:s21+$0xA4A0]  }
0x107: {  	[tilespmem:s21+$0x12440] =	vst v1;
	v1 =	vmul.f32 $1.131370830e+01, v3;
	v3 =	vld [tilespmem:s21+$0xA4B0]  }
0x108: {  	[tilespmem:s21+$0x12450] =	vst v0;
	v0 =	vmul.f32 $1.131370830e+01, v2;
	v2 =	vld [tilespmem:s21+$0xA4C0]  }
0x109: {  	[tilespmem:s21+$0x12460] =	vst v1;
	v1 =	vmul.f32 $1.131370830e+01, v4;
	v4 =	vld [tilespmem:s21+$0xA4D0]  }
0x10a: {  	[tilespmem:s21+$0x12470] =	vst v0;
	v0 =	vmul.f32 $1.131370830e+01, v6;
	v6 =	vld [tilespmem:s21+$0xA4E0]  }
0x10b: {  	[tilespmem:s21+$0x12480] =	vst v1;
	v1 =	vmul.f32 $1.131370830e+01, v5;
	v5 =	vld [tilespmem:s21+$0xA4F0]  }
0x10c: {  	[tilespmem:s21+$0x12490] =	vst v0;
	v0 =	vmul.f32 $1.131370830e+01, v3;
	v3 =	vld [tilespmem:s21+$0xA500]  }
0x10d: {  	[tilespmem:s21+$0x124A0] =	vst v1;
	v1 =	vmul.f32 $1.131370830e+01, v2;
	v2 =	vld [tilespmem:s21+$0xA510]  }
0x10e: {  	[tilespmem:s21+$0x124B0] =	vst v0;
	v0 =	vmul.f32 $1.131370830e+01, v4;
	v4 =	vld [tilespmem:s21+$0xA520]  }
0x10f: {  	[tilespmem:s21+$0x124C0] =	vst v1;
	v1 =	vmul.f32 $1.131370830e+01, v6;
	v6 =	vld [tilespmem:s21+$0xA530]  }
0x110: {  	[tilespmem:s21+$0x124D0] =	vst v0;
	v0 =	vmul.f32 $1.131370830e+01, v5;
	v5 =	vld [tilespmem:s21+$0xA540]  }
0x111: {  	[tilespmem:s21+$0x124E0] =	vst v1;
	v1 =	vmul.f32 $1.131370830e+01, v3;
	v3 =	vld [tilespmem:s21+$0xA550]  }
0x112: {  	[tilespmem:s21+$0x124F0] =	vst v0;
	v0 =	vmul.f32 $1.131370830e+01, v2;
	v2 =	vld [tilespmem:s21+$0xA560]  }
0x113: {  	[tilespmem:s21+$0x12500] =	vst v1;
	v1 =	vmul.f32 $1.131370830e+01, v4;
	v4 =	vld [tilespmem:s21+$0xA570]  }
0x114: {  	[tilespmem:s21+$0x12510] =	vst v0;
	v0 =	vmul.f32 $1.131370830e+01, v6;
	v6 =	vld [tilespmem:s21+$0xA580]  }
0x115: {  	[tilespmem:s21+$0x12520] =	vst v1;
	v1 =	vmul.f32 $1.131370830e+01, v5;
	v5 =	vld [tilespmem:s21+$0xA590]  }
0x116: {  	[tilespmem:s21+$0x12530] =	vst v0;
	v0 =	vmul.f32 $1.131370830e+01, v3;
	v3 =	vld [tilespmem:s21+$0xA5A0]  }
0x117: {  	[tilespmem:s21+$0x12540] =	vst v1;
	v1 =	vmul.f32 $1.131370830e+01, v2;
	v2 =	vld [tilespmem:s21+$0xA5B0]  }
0x118: {  	[tilespmem:s21+$0x12550] =	vst v0;
	v0 =	vmul.f32 $1.131370830e+01, v4;
	v4 =	vld [tilespmem:s21+$0xA5C0]  }
0x119: {  	[tilespmem:s21+$0x12560] =	vst v1;
	v1 =	vmul.f32 $1.131370830e+01, v6;
	v6 =	vld [tilespmem:s21+$0xA5D0]  }
0x11a: {  	[tilespmem:s21+$0x12570] =	vst v0;
	v0 =	vmul.f32 $1.131370830e+01, v5;
	v5 =	vld [tilespmem:s21+$0xA5E0]  }
0x11b: {  	[tilespmem:s21+$0x12580] =	vst v1;
	v1 =	vmul.f32 $1.131370830e+01, v3;
	v3 =	vld [tilespmem:s21+$0xA5F0]  }
0x11c: {  	[tilespmem:s21+$0x12590] =	vst v0;
	v0 =	vmul.f32 $1.131370830e+01, v2;
	v2 =	vld [tilespmem:s21+$0xA600]  }
0x11d: {  	[tilespmem:s21+$0x125A0] =	vst v1;
	v1 =	vmul.f32 $1.131370830e+01, v4;
	v4 =	vld [tilespmem:s21+$0xA610]  }
0x11e: {  	[tilespmem:s21+$0x125B0] =	vst v0;
	v0 =	vmul.f32 $1.131370830e+01, v6;
	v6 =	vld [tilespmem:s21+$0xA620]  }
0x11f: {  	[tilespmem:s21+$0x125C0] =	vst v1;
	v1 =	vmul.f32 $1.131370830e+01, v5;
	v5 =	vld [tilespmem:s21+$0xA630]  }
0x120: {  	[tilespmem:s21+$0x125D0] =	vst v0;
	v0 =	vmul.f32 $1.131370830e+01, v3;
	v3 =	vld [tilespmem:s21+$0xA640]  }
0x121: {  	[tilespmem:s21+$0x125E0] =	vst v1;
	v1 =	vmul.f32 $1.131370830e+01, v2;
	v2 =	vld [tilespmem:s21+$0xA650]  }
0x122: {  	[tilespmem:s21+$0x125F0] =	vst v0;
	v0 =	vmul.f32 $1.131370830e+01, v4;
	v4 =	vld [tilespmem:s21+$0xA660]  }
0x123: {  	[tilespmem:s21+$0x12600] =	vst v1;
	v1 =	vmul.f32 $1.131370830e+01, v6;
	v6 =	vld [tilespmem:s21+$0xA670]  }
0x124: {  	[tilespmem:s21+$0x12610] =	vst v0;
	v0 =	vmul.f32 $1.131370830e+01, v5;
	v5 =	vld [tilespmem:s21+$0xA680]  }
0x125: {  	[tilespmem:s21+$0x12620] =	vst v1;
	v1 =	vmul.f32 $1.131370830e+01, v3;
	v3 =	vld [tilespmem:s21+$0xA690]  }
0x126: {  	[tilespmem:s21+$0x12630] =	vst v0;
	v0 =	vmul.f32 $1.131370830e+01, v2;
	v2 =	vld [tilespmem:s21+$0xA6A0]  }
0x127: {  	[tilespmem:s21+$0x12640] =	vst v1;
	v1 =	vmul.f32 $1.131370830e+01, v4;
	v4 =	vld [tilespmem:s21+$0xA6B0]  }
0x128: {  	[tilespmem:s21+$0x12650] =	vst v0;
	v0 =	vmul.f32 $1.131370830e+01, v6;
	v6 =	vld [tilespmem:s21+$0xA6C0]  }
0x129: {  	[tilespmem:s21+$0x12660] =	vst v1;
	v1 =	vmul.f32 $1.131370830e+01, v5;
	v5 =	vld [tilespmem:s21+$0xA6D0]  }
0x12a: {  	[tilespmem:s21+$0x12670] =	vst v0;
	v0 =	vmul.f32 $1.131370830e+01, v3;
	v3 =	vld [tilespmem:s21+$0xA6E0]  }
0x12b: {  	[tilespmem:s21+$0x12680] =	vst v1;
	v1 =	vmul.f32 $1.131370830e+01, v2;
	v2 =	vld [tilespmem:s21+$0xA6F0]  }
0x12c: {  	[tilespmem:s21+$0x12690] =	vst v0;
	v0 =	vmul.f32 $1.131370830e+01, v4;
	v4 =	vld [tilespmem:s21+$0xA700]  }
0x12d: {  	[tilespmem:s21+$0x126A0] =	vst v1;
	v1 =	vmul.f32 $1.131370830e+01, v6;
	v6 =	vld [tilespmem:s21+$0xA710]  }
0x12e: {  	[tilespmem:s21+$0x126B0] =	vst v0;
	v0 =	vmul.f32 $1.131370830e+01, v5;
	v5 =	vld [tilespmem:s21+$0xA720]  }
0x12f: {  	[tilespmem:s21+$0x126C0] =	vst v1;
	v1 =	vmul.f32 $1.131370830e+01, v3;
	v3 =	vld [tilespmem:s21+$0xA730]  }
0x130: {  	[tilespmem:s21+$0x126D0] =	vst v0;
	v0 =	vmul.f32 $1.131370830e+01, v2;
	v2 =	vld [tilespmem:s21+$0xA740]  }
0x131: {  	[tilespmem:s21+$0x126E0] =	vst v1;
	v1 =	vmul.f32 $1.131370830e+01, v4;
	v4 =	vld [tilespmem:s21+$0xA750]  }
0x132: {  	[tilespmem:s21+$0x126F0] =	vst v0;
	v0 =	vmul.f32 $1.131370830e+01, v6;
	v6 =	vld [tilespmem:s21+$0xA760]  }
0x133: {  	[tilespmem:s21+$0x12700] =	vst v1;
	v1 =	vmul.f32 $1.131370830e+01, v5;
	v5 =	vld [tilespmem:s21+$0xA770]  }
0x134: {  	[tilespmem:s21+$0x12710] =	vst v0;
	v0 =	vmul.f32 $1.131370830e+01, v3;
	v7 =	vld [tilespmem:s21+$0xA780]  }
.Ltmp6:
0x135: {  	[tilespmem:s21+$0x12720] =	vst v1;
	v1 =	vmul.f32 $1.131370830e+01, v2;
	v3 =	vld [tilespmem:s21+$0xA790];
	(pc) =	sbr.rel @p0 .LBB2_9-.Ltmp6, $4  }
0x136: {  	[tilespmem:s21+$0x12730] =	vst v0;
	v2 =	vmul.f32 $1.131370830e+01, v4;
	v0 =	vld [tilespmem:s21+$0xA7A0]  }
0x137: {  	[tilespmem:s21+$0x12740] =	vst v1;
	v4 =	vmul.f32 $1.131370830e+01, v6;
	v1 =	vld [tilespmem:s21+$0xA7B0]  }
0x138: {  	[tilespmem:s21+$0x12750] =	vst v2;
	v6 =	vmul.f32 $1.131370830e+01, v5;
	v2 =	vld [tilespmem:s21+$0xA7C0]  }
0x139: {  	s23 =	sadd.s32 $0x1000, s23;
	[tilespmem:s21+$0x12760] =	vst v4;
	v5 =	vmul.f32 $1.131370830e+01, v7;
	v4 =	vld [tilespmem:s21+$0xA7D0]  }
0x13a: {  	[tilespmem:s21+$0x12770] =	vst v6;
	v3 =	vmul.f32 $1.131370830e+01, v3;
	v60 =	vld [tilespmem:s21+$0xA7E0]  }
0x13b: {  	[tilespmem:s21+$0x12780] =	vst v5;
	v0 =	vmul.f32 $1.131370830e+01, v0  }
0x13c: {  	[tilespmem:s21+$0x12790] =	vst v3;
	v1 =	vmul.f32 $1.131370830e+01, v1  }
0x13d: {  	p0 =	seq.s32 s20, $0x63;
	[tilespmem:s21+$0x127A0] =	vst v0;
	v61 =	vmul.f32 $1.131370830e+01, v2  }
.Ltmp7:
0x13e: {  	[tilespmem:s21+$0x127B0] =	vst v1;
	v62 =	vmul.f32 $1.131370830e+01, v4;
	(pc) =	sbr.rel @p0 .LBB2_12-.Ltmp7, $4  }
0x13f: {  	[tilespmem:s21+$0x127C0] =	vst v61;
	v63 =	vmul.f32 $1.131370830e+01, v60  }
0x140: {  	s22 =	sshll.u32 s20, $0xC;
	[tilespmem:s21+$0x127D0] =	vst v62  }
0x141: {  	s31 =	sadd.s32 s8, s22;
	[tilespmem:s21+$0x127E0] =	vst v63  }
0x142: {  	[hbm4b:s31+s4] =	stream.linear.scatter [tilespmem:s17], [sflag:$0x4], $0x4000, $0x38;
	[tilespmem:$0x16400] =	vst v63  }
.Ltmp8:
0x143: {  	(pc) =	sbr.rel .LBB2_2-.Ltmp8, $4  }
0x144: {  	s21 =	sshll.u32 s20, $0x8  }
0x145: {  	s21 =	sand.u32 $0x3FFFFF00, s21  }
0x146: {  	s20 =	sadd.s32 $0x1, s20;
	s21 =	sadd.s32 $0x180, s21  }
0x147: {  	[tilespmem:s12], [sflag:$0x2] =	stream.indirect.gather [hbm4b:s2+s10], $0x80, s21, s10, $0xb8;
	[tilespmem:$0x16400] =	vst v63  }
.LBB2_13:
0x148: {  	_ =	sfence.sel $0x180000  }
0x149: {  	[bflag:$0x0] =	sbarrier.arrive $0xFFFF  }
0x14a: {  	p0 =	sne.s32 s0, $0x0;
	_ =	strace $0x90000047  }
0x14b: {  	s0 =	sadd.s32 @!p0 $0x100000, s1;
	[bflag:$0x2] =	sbarrier.arrive $0xFFFF  }
0x14c: {  	[sflag:s0] =	ssyncadd.tile.s32 @!p0 $0x1;
	_ =	shalt  }
.Lfunc_end2:
_tile_overlayer_lowered:
.L_overlay_start_2:
0x14d: {  	(tag) =	ssettag $0x2  }
0x14e: {  	s0 =	rddreg [dreg:$0x0];
	s2 =	stileid.u32  }
0x14f: {  	s1 =	rddreg [dreg:$0x1];
	p0 =	sne.s32 s2, $0x0  }
0x150: {  	s3 =	rddreg [dreg:$0x2];
	[bflag:$0x3] =	sbarrier.arrive $0xFFFF;
	s2 =	simm.s32 @!p0 $0x1C05  }
0x151: {  	[timem:s3], [sflag:s2] =	dma.local @!p0 [hbm:s0], s1  }
0x152: {  	s0 =	simm.s32 @!p0 $0x5  }
0x153: {  	_ =	swait.ge @!p0 [sflag:s0], s1  }
0x154: {  	s1 =	ssub.s32 @!p0 $0x0, s1;
	[sflag:s0] =	ssyncset.done @!p0 $0x0  }
0x155: {  	[sflag:s0] =	ssyncadd.s32 @!p0 s1  }
0x156: {  	[bflag:$0x3] =	sbarrier.arrive $0xFFFF  }
0x157: {  	_ =	shalt  }

</sc_bundles>
